<compile_context>
chip_gen: v7x
topology: tpu7x:2x2x1
jax: 0.10.2.dev20260603
libtpu: 0.0.44.dev20260713+nightly
codegen_flags: <defaults>
</compile_context>

<pallas_src>
import functools

import jax
import jax.numpy as jnp
from jax import lax
from jax.experimental import pallas as pl
from jax.experimental.pallas import tpu as pltpu
from jax.experimental.pallas import tpu_sc as plsc

_N = 32768
_H = 32
_NC = 2
_NS = 16
_NW = _NC * _NS
_CHUNK = _N // _NW
_RCH = 256
_NCH = _CHUNK // _RCH


def _sc_logits_body(tt_hbm, wt_hbm, out_hbm, tt_v, log_v, w_v, sem):
    wid = lax.axis_index("s") * _NC + lax.axis_index("c")
    base = wid * _CHUNK

    pltpu.sync_copy(wt_hbm, w_v)
    cp = pltpu.async_copy(tt_hbm.at[:, pl.ds(base, _CHUNK)], tt_v, sem)
    wlo = w_v[0, pl.ds(0, 16)]
    whi = w_v[0, pl.ds(16, 16)]
    wks = [
        (wlo if k < 16 else whi).at[
            jnp.full((16,), k % 16, jnp.int32)].get(mode="promise_in_bounds")
        for k in range(_H)
    ]
    cp.wait()

    def _group(g, carry):
        off = pl.multiple_of(g * 16, 16)
        accs = [jnp.zeros((16,), jnp.float32) for _ in range(4)]
        for k in range(_H):
            accs[k % 4] = accs[k % 4] + tt_v[k, pl.ds(off, 16)] * wks[k]
        log_v[pl.ds(off, 16)] = (accs[0] + accs[1]) + (accs[2] + accs[3])
        return carry
    lax.fori_loop(0, _CHUNK // 16, _group, 0)

    pltpu.sync_copy(log_v, out_hbm.at[pl.ds(base, _CHUNK)])


@functools.cache
def _sc_logits():
    return pl.kernel(
        _sc_logits_body,
        out_type=jax.ShapeDtypeStruct((_N,), jnp.float32),
        mesh=plsc.VectorSubcoreMesh(core_axis_name="c", subcore_axis_name="s"),
        compiler_params=pltpu.CompilerParams(needs_layout_passes=False),
        scratch_types=[
            pltpu.VMEM((_H, _CHUNK), jnp.float32),
            pltpu.VMEM((_CHUNK,), jnp.float32),
            pltpu.VMEM((1, 96), jnp.float32),
            pltpu.SemaphoreType.DMA,
        ],
    )


def _tc_softmax_body(l_ref, t_ref, lr_ref, wr_ref,
                     probs_ref, logp_ref, ent_ref, tid_ref):
    lraw = l_ref[...]
    l_last = jnp.sum(lr_ref[...] * wr_ref[...][:, :_H])
    rolled = jnp.roll(lraw, -1, axis=1)
    nextr0 = jnp.roll(lraw[:, 0:1], -1, axis=0)
    cols = lax.broadcasted_iota(jnp.int32, lraw.shape, 1)
    rows = lax.broadcasted_iota(jnp.int32, lraw.shape, 0)
    l = jnp.where(cols == 127, jnp.broadcast_to(nextr0, lraw.shape), rolled)
    lin = rows * 128 + cols
    l = jnp.where(lin == _N - 1, l_last, l)
    m = jnp.max(l)
    e = jnp.exp(l - m)
    s = jnp.sum(e)
    p = e / s
    probs_ref[...] = p
    pmax = jnp.max(p)
    idx = jnp.min(jnp.where(p == pmax, lin, jnp.int32(2**30)))
    tid_ref[0, 0] = jnp.sum(jnp.where(lin == idx, t_ref[...], 0))
    logp_ref[0, 0] = jnp.log(pmax + 1e-12)
    ent_ref[0, 0] = -jnp.sum(p * jnp.log(p + 1e-12)) / jnp.float32(_N)


_tc_softmax = pl.pallas_call(
    _tc_softmax_body,
    out_shape=[
        jax.ShapeDtypeStruct((_N // 128, 128), jnp.float32),
        jax.ShapeDtypeStruct((1, 1), jnp.float32),
        jax.ShapeDtypeStruct((1, 1), jnp.float32),
        jax.ShapeDtypeStruct((1, 1), jnp.int32),
    ],
    out_specs=[
        pl.BlockSpec(memory_space=pltpu.VMEM),
        pl.BlockSpec(memory_space=pltpu.SMEM),
        pl.BlockSpec(memory_space=pltpu.SMEM),
        pl.BlockSpec(memory_space=pltpu.SMEM),
    ],
)


def kernel(task_output, state_output, worker_embedding, unscheduled_tasks, W, b):
    wt = W.T
    logits_raw = _sc_logits()(task_output.T, wt)
    probs2, logp, ent, tid = _tc_softmax(
        logits_raw.reshape(_N // 128, 128),
        unscheduled_tasks.reshape(_N // 128, 128),
        task_output[_N:, :],
        wt)
    return (probs2.reshape(_N), logp[0, 0], ent[0, 0], tid[0, 0])

# --- scband reference (transcript-rebuilt; emitter-appended) ---
"""Pipeline reference for scband-mappogrupolicy-net-74569222193935 (READ-ONLY COPY).

The authoritative reference and input builder live on the scoring server;
editing this copy changes nothing except your own understanding.
"""

import jax, jax.numpy as jnp
import numpy as np

H = 32
N_TASKS = 32768

def setup_inputs(seed: int = 0) -> dict:
    key = jax.random.key(seed)
    ks = jax.random.split(key, 6)
    task_output = jax.random.normal(ks[0], (N_TASKS + 1, H), dtype=jnp.float32)
    state_output = jax.random.normal(ks[1], (1, H), dtype=jnp.float32)
    worker_embedding = jax.random.normal(ks[2], (1, H), dtype=jnp.float32)
    unscheduled_tasks = jnp.arange(N_TASKS, dtype=jnp.int32)
    # Classifier(task_embedding_size=96, 1): linear layer params
    W = jax.random.normal(ks[3], (3 * H, 1), dtype=jnp.float32) * 0.1
    b = jnp.zeros((1,), dtype=jnp.float32)
    return {
        "task_output": task_output,
        "state_output": state_output,
        "worker_embedding": worker_embedding,
        "unscheduled_tasks": unscheduled_tasks,
        "W": W,
        "b": b,
    }


def reference(task_output, state_output, worker_embedding, unscheduled_tasks, W, b):
    # indices = [t + 1 for t in unscheduled_tasks]; task_output_ = task_output[indices]
    idxs = unscheduled_tasks + 1
    task_rows = jnp.take(task_output, idxs, axis=0)  # gather [N, 32]
    n = task_rows.shape[0]
    # merge_embeddings(task_rows, state_output, n): repeat + concat
    state_rep = jnp.repeat(state_output, n, axis=0)
    merged = jnp.concatenate([task_rows, state_rep], axis=1)  # [N, 64]
    # merge_embeddings(merged, worker_embedding, n)
    worker_rep = jnp.repeat(worker_embedding, n, axis=0)
    merged = jnp.concatenate([merged, worker_rep], axis=1)  # [N, 96]
    # Classifier(96 -> 1), squeeze to per-task scores
    logits = (merged @ W + b)[:, 0]  # [N]
    # select_task: softmax over tasks, argmax selection (selection_mode='argmax')
    probs = jax.nn.softmax(logits, axis=-1)
    idx = jnp.argmax(probs)
    log_prob = jnp.log(probs[idx] + 1e-12)
    entropy = -jnp.sum(probs * jnp.log(probs + 1e-12)) / n
    task_id = jnp.take(unscheduled_tasks, idx)
    return probs, log_prob, entropy, task_id

if __name__ == "__main__":
    import jax
    _d = setup_inputs()
    print(jax.jit(kernel)(*tuple(_d.values())))

</pallas_src>

<mosaic_0001>
#map = affine_map<(d0, d1) -> (0, 0)>
#map1 = affine_map<(d0, d1) -> (0)>
module attributes {stable_mosaic.version = 14 : i64} {
  func.func @_sc_logits_body(%arg0: i32, %arg1: i32, %arg2: memref<32x32769xf32, #tpu.memory_space<hbm>>, %arg3: memref<1x96xf32, #tpu.memory_space<hbm>>, %arg4: memref<32768xf32, #tpu.memory_space<hbm>>, %arg5: memref<32x1024xf32, #tpu.memory_space<vmem>>, %arg6: memref<1024xf32, #tpu.memory_space<vmem>>, %arg7: memref<1x96xf32, #tpu.memory_space<vmem>>, %arg8: memref<!tpu.dma_semaphore, #tpu.memory_space<semaphore_mem>>) attributes {dimension_semantics = [#tpu.dimension_semantics<core_parallel>, #tpu.dimension_semantics<subcore_parallel>], iteration_bounds = array<i64: 2, 16>, scalar_prefetch = 0 : i64, scratch_operands = 4 : i64, tpu.core_type = #tpu.core_type<sc_vector_subcore>, window_params = [{transform_indices = #map}, {transform_indices = #map}, {transform_indices = #map1}]} {
    %mul3A = arith.constant 2 : i32
    %mul3A_0 = arith.muli %arg1, %mul3A : i32
    %add3A = arith.addi %mul3A_0, %arg0 : i32
    %mul3A_1 = arith.constant 1024 : i32
    %mul3A_2 = arith.muli %add3A, %mul3A_1 : i32
    "tpu.region"() ({
      %run_scoped3A = tpu.sem_alloc : memref<!tpu.dma_semaphore, #tpu.memory_space<semaphore_mem>>
      tpu.enqueue_dma source(%arg3 : memref<1x96xf32, #tpu.memory_space<hbm>>) target(%arg7 : memref<1x96xf32, #tpu.memory_space<vmem>>) target_semaphore(%run_scoped3A : memref<!tpu.dma_semaphore, #tpu.memory_space<semaphore_mem>>)
      tpu.wait_dma2 semaphore(%run_scoped3A : memref<!tpu.dma_semaphore, #tpu.memory_space<semaphore_mem>>) src(%arg3 : memref<1x96xf32, #tpu.memory_space<hbm>>) dst(%arg7 : memref<1x96xf32, #tpu.memory_space<vmem>>)
      tpu.yield
    }) : () -> ()
    %dma_start3A = arith.constant 0 : i32
    %dma_start3A_3 = tpu.memref_slice %arg2[%dma_start3A, %mul3A_2] : memref<32x32769xf32, #tpu.memory_space<hbm>> -> memref<32x1024xf32, #tpu.memory_space<hbm>>
    %dma_start3A_4 = arith.constant 0 : i32
    %dma_start3A_5 = tpu.memref_slice %arg2[%dma_start3A_4, %mul3A_2] : memref<32x32769xf32, #tpu.memory_space<hbm>> -> memref<32x1024xf32, #tpu.memory_space<hbm>>
    tpu.enqueue_dma source(%dma_start3A_5 : memref<32x1024xf32, #tpu.memory_space<hbm>>) target(%arg5 : memref<32x1024xf32, #tpu.memory_space<vmem>>) target_semaphore(%arg8 : memref<!tpu.dma_semaphore, #tpu.memory_space<semaphore_mem>>)
    %get3A = arith.constant 0 : i32
    %get3A_6 = arith.index_cast %get3A : i32 to index
    %get3A_7 = arith.constant 0 : index
    %get3A_8 = tpu.vector_load %arg7[%get3A_6, %get3A_7] {strides = array<i32>} : memref<1x96xf32, #tpu.memory_space<vmem>>, vector<16xf32>,
    %get3A_9 = arith.constant 0 : i32
    %get3A_10 = arith.index_cast %get3A_9 : i32 to index
    %get3A_11 = arith.constant 16 : index
    %get3A_12 = tpu.vector_load %arg7[%get3A_10, %get3A_11] {strides = array<i32>} : memref<1x96xf32, #tpu.memory_space<vmem>>, vector<16xf32>,
    %broadcast_in_dim3A = arith.constant 0 : i32
    %broadcast_in_dim3A_13 = vector.broadcast %broadcast_in_dim3A : i32 to vector<16xi32>
    %lt3A = arith.constant 0 : i32
    %lt3A_14 = vector.broadcast %lt3A : i32 to vector<16xi32>
    %lt3A_15 = arith.cmpi slt, %broadcast_in_dim3A_13, %lt3A_14 : vector<16xi32>
    %add3A_16 = arith.constant 16 : i32
    %add3A_17 = vector.broadcast %add3A_16 : i32 to vector<16xi32>
    %add3A_18 = arith.addi %broadcast_in_dim3A_13, %add3A_17 : vector<16xi32>
    %select_n3A = arith.select %lt3A_15, %add3A_18, %broadcast_in_dim3A_13 : vector<16xi1>, vector<16xi32>
    %broadcast_in_dim3A_19 = vector.shape_cast %select_n3A : vector<16xi32> to vector<16x1xi32>
    %gather3A = vector.shape_cast %broadcast_in_dim3A_19 : vector<16x1xi32> to vector<16xi32>
    %gather3A_20 = tpu.dynamic_gather %get3A_8[%gather3A] in [0] : vector<16xf32>, vector<16xi32> -> vector<16xf32>
    %broadcast_in_dim3A_21 = arith.constant 1 : i32
    %broadcast_in_dim3A_22 = vector.broadcast %broadcast_in_dim3A_21 : i32 to vector<16xi32>
    %lt3A_23 = arith.constant 0 : i32
    %lt3A_24 = vector.broadcast %lt3A_23 : i32 to vector<16xi32>
    %lt3A_25 = arith.cmpi slt, %broadcast_in_dim3A_22, %lt3A_24 : vector<16xi32>
    %add3A_26 = arith.constant 16 : i32
    %add3A_27 = vector.broadcast %add3A_26 : i32 to vector<16xi32>
    %add3A_28 = arith.addi %broadcast_in_dim3A_22, %add3A_27 : vector<16xi32>
    %select_n3A_29 = arith.select %lt3A_25, %add3A_28, %broadcast_in_dim3A_22 : vector<16xi1>, vector<16xi32>
    %broadcast_in_dim3A_30 = vector.shape_cast %select_n3A_29 : vector<16xi32> to vector<16x1xi32>
    %gather3A_31 = vector.shape_cast %broadcast_in_dim3A_30 : vector<16x1xi32> to vector<16xi32>
    %gather3A_32 = tpu.dynamic_gather %get3A_8[%gather3A_31] in [0] : vector<16xf32>, vector<16xi32> -> vector<16xf32>
    %broadcast_in_dim3A_33 = arith.constant 2 : i32
    %broadcast_in_dim3A_34 = vector.broadcast %broadcast_in_dim3A_33 : i32 to vector<16xi32>
    %lt3A_35 = arith.constant 0 : i32
    %lt3A_36 = vector.broadcast %lt3A_35 : i32 to vector<16xi32>
    %lt3A_37 = arith.cmpi slt, %broadcast_in_dim3A_34, %lt3A_36 : vector<16xi32>
    %add3A_38 = arith.constant 16 : i32
    %add3A_39 = vector.broadcast %add3A_38 : i32 to vector<16xi32>
    %add3A_40 = arith.addi %broadcast_in_dim3A_34, %add3A_39 : vector<16xi32>
    %select_n3A_41 = arith.select %lt3A_37, %add3A_40, %broadcast_in_dim3A_34 : vector<16xi1>, vector<16xi32>
    %broadcast_in_dim3A_42 = vector.shape_cast %select_n3A_41 : vector<16xi32> to vector<16x1xi32>
    %gather3A_43 = vector.shape_cast %broadcast_in_dim3A_42 : vector<16x1xi32> to vector<16xi32>
    %gather3A_44 = tpu.dynamic_gather %get3A_8[%gather3A_43] in [0] : vector<16xf32>, vector<16xi32> -> vector<16xf32>
    %broadcast_in_dim3A_45 = arith.constant 3 : i32
    %broadcast_in_dim3A_46 = vector.broadcast %broadcast_in_dim3A_45 : i32 to vector<16xi32>
    %lt3A_47 = arith.constant 0 : i32
    %lt3A_48 = vector.broadcast %lt3A_47 : i32 to vector<16xi32>
    %lt3A_49 = arith.cmpi slt, %broadcast_in_dim3A_46, %lt3A_48 : vector<16xi32>
    %add3A_50 = arith.constant 16 : i32
    %add3A_51 = vector.broadcast %add3A_50 : i32 to vector<16xi32>
    %add3A_52 = arith.addi %broadcast_in_dim3A_46, %add3A_51 : vector<16xi32>
    %select_n3A_53 = arith.select %lt3A_49, %add3A_52, %broadcast_in_dim3A_46 : vector<16xi1>, vector<16xi32>
    %broadcast_in_dim3A_54 = vector.shape_cast %select_n3A_53 : vector<16xi32> to vector<16x1xi32>
    %gather3A_55 = vector.shape_cast %broadcast_in_dim3A_54 : vector<16x1xi32> to vector<16xi32>
    %gather3A_56 = tpu.dynamic_gather %get3A_8[%gather3A_55] in [0] : vector<16xf32>, vector<16xi32> -> vector<16xf32>
    %broadcast_in_dim3A_57 = arith.constant 4 : i32
    %broadcast_in_dim3A_58 = vector.broadcast %broadcast_in_dim3A_57 : i32 to vector<16xi32>
    %lt3A_59 = arith.constant 0 : i32
    %lt3A_60 = vector.broadcast %lt3A_59 : i32 to vector<16xi32>
    %lt3A_61 = arith.cmpi slt, %broadcast_in_dim3A_58, %lt3A_60 : vector<16xi32>
    %add3A_62 = arith.constant 16 : i32
    %add3A_63 = vector.broadcast %add3A_62 : i32 to vector<16xi32>
    %add3A_64 = arith.addi %broadcast_in_dim3A_58, %add3A_63 : vector<16xi32>
    %select_n3A_65 = arith.select %lt3A_61, %add3A_64, %broadcast_in_dim3A_58 : vector<16xi1>, vector<16xi32>
    %broadcast_in_dim3A_66 = vector.shape_cast %select_n3A_65 : vector<16xi32> to vector<16x1xi32>
    %gather3A_67 = vector.shape_cast %broadcast_in_dim3A_66 : vector<16x1xi32> to vector<16xi32>
    %gather3A_68 = tpu.dynamic_gather %get3A_8[%gather3A_67] in [0] : vector<16xf32>, vector<16xi32> -> vector<16xf32>
    %broadcast_in_dim3A_69 = arith.constant 5 : i32
    %broadcast_in_dim3A_70 = vector.broadcast %broadcast_in_dim3A_69 : i32 to vector<16xi32>
    %lt3A_71 = arith.constant 0 : i32
    %lt3A_72 = vector.broadcast %lt3A_71 : i32 to vector<16xi32>
    %lt3A_73 = arith.cmpi slt, %broadcast_in_dim3A_70, %lt3A_72 : vector<16xi32>
    %add3A_74 = arith.constant 16 : i32
    %add3A_75 = vector.broadcast %add3A_74 : i32 to vector<16xi32>
    %add3A_76 = arith.addi %broadcast_in_dim3A_70, %add3A_75 : vector<16xi32>
    %select_n3A_77 = arith.select %lt3A_73, %add3A_76, %broadcast_in_dim3A_70 : vector<16xi1>, vector<16xi32>
    %broadcast_in_dim3A_78 = vector.shape_cast %select_n3A_77 : vector<16xi32> to vector<16x1xi32>
    %gather3A_79 = vector.shape_cast %broadcast_in_dim3A_78 : vector<16x1xi32> to vector<16xi32>
    %gather3A_80 = tpu.dynamic_gather %get3A_8[%gather3A_79] in [0] : vector<16xf32>, vector<16xi32> -> vector<16xf32>
    %broadcast_in_dim3A_81 = arith.constant 6 : i32
    %broadcast_in_dim3A_82 = vector.broadcast %broadcast_in_dim3A_81 : i32 to vector<16xi32>
    %lt3A_83 = arith.constant 0 : i32
    %lt3A_84 = vector.broadcast %lt3A_83 : i32 to vector<16xi32>
    %lt3A_85 = arith.cmpi slt, %broadcast_in_dim3A_82, %lt3A_84 : vector<16xi32>
    %add3A_86 = arith.constant 16 : i32
    %add3A_87 = vector.broadcast %add3A_86 : i32 to vector<16xi32>
    %add3A_88 = arith.addi %broadcast_in_dim3A_82, %add3A_87 : vector<16xi32>
    %select_n3A_89 = arith.select %lt3A_85, %add3A_88, %broadcast_in_dim3A_82 : vector<16xi1>, vector<16xi32>
    %broadcast_in_dim3A_90 = vector.shape_cast %select_n3A_89 : vector<16xi32> to vector<16x1xi32>
    %gather3A_91 = vector.shape_cast %broadcast_in_dim3A_90 : vector<16x1xi32> to vector<16xi32>
    %gather3A_92 = tpu.dynamic_gather %get3A_8[%gather3A_91] in [0] : vector<16xf32>, vector<16xi32> -> vector<16xf32>
    %broadcast_in_dim3A_93 = arith.constant 7 : i32
    %broadcast_in_dim3A_94 = vector.broadcast %broadcast_in_dim3A_93 : i32 to vector<16xi32>
    %lt3A_95 = arith.constant 0 : i32
    %lt3A_96 = vector.broadcast %lt3A_95 : i32 to vector<16xi32>
    %lt3A_97 = arith.cmpi slt, %broadcast_in_dim3A_94, %lt3A_96 : vector<16xi32>
    %add3A_98 = arith.constant 16 : i32
    %add3A_99 = vector.broadcast %add3A_98 : i32 to vector<16xi32>
    %add3A_100 = arith.addi %broadcast_in_dim3A_94, %add3A_99 : vector<16xi32>
    %select_n3A_101 = arith.select %lt3A_97, %add3A_100, %broadcast_in_dim3A_94 : vector<16xi1>, vector<16xi32>
    %broadcast_in_dim3A_102 = vector.shape_cast %select_n3A_101 : vector<16xi32> to vector<16x1xi32>
    %gather3A_103 = vector.shape_cast %broadcast_in_dim3A_102 : vector<16x1xi32> to vector<16xi32>
    %gather3A_104 = tpu.dynamic_gather %get3A_8[%gather3A_103] in [0] : vector<16xf32>, vector<16xi32> -> vector<16xf32>
    %broadcast_in_dim3A_105 = arith.constant 8 : i32
    %broadcast_in_dim3A_106 = vector.broadcast %broadcast_in_dim3A_105 : i32 to vector<16xi32>
    %lt3A_107 = arith.constant 0 : i32
    %lt3A_108 = vector.broadcast %lt3A_107 : i32 to vector<16xi32>
    %lt3A_109 = arith.cmpi slt, %broadcast_in_dim3A_106, %lt3A_108 : vector<16xi32>
    %add3A_110 = arith.constant 16 : i32
    %add3A_111 = vector.broadcast %add3A_110 : i32 to vector<16xi32>
    %add3A_112 = arith.addi %broadcast_in_dim3A_106, %add3A_111 : vector<16xi32>
    %select_n3A_113 = arith.select %lt3A_109, %add3A_112, %broadcast_in_dim3A_106 : vector<16xi1>, vector<16xi32>
    %broadcast_in_dim3A_114 = vector.shape_cast %select_n3A_113 : vector<16xi32> to vector<16x1xi32>
    %gather3A_115 = vector.shape_cast %broadcast_in_dim3A_114 : vector<16x1xi32> to vector<16xi32>
    %gather3A_116 = tpu.dynamic_gather %get3A_8[%gather3A_115] in [0] : vector<16xf32>, vector<16xi32> -> vector<16xf32>
    %broadcast_in_dim3A_117 = arith.constant 9 : i32
    %broadcast_in_dim3A_118 = vector.broadcast %broadcast_in_dim3A_117 : i32 to vector<16xi32>
    %lt3A_119 = arith.constant 0 : i32
    %lt3A_120 = vector.broadcast %lt3A_119 : i32 to vector<16xi32>
    %lt3A_121 = arith.cmpi slt, %broadcast_in_dim3A_118, %lt3A_120 : vector<16xi32>
    %add3A_122 = arith.constant 16 : i32
    %add3A_123 = vector.broadcast %add3A_122 : i32 to vector<16xi32>
    %add3A_124 = arith.addi %broadcast_in_dim3A_118, %add3A_123 : vector<16xi32>
    %select_n3A_125 = arith.select %lt3A_121, %add3A_124, %broadcast_in_dim3A_118 : vector<16xi1>, vector<16xi32>
    %broadcast_in_dim3A_126 = vector.shape_cast %select_n3A_125 : vector<16xi32> to vector<16x1xi32>
    %gather3A_127 = vector.shape_cast %broadcast_in_dim3A_126 : vector<16x1xi32> to vector<16xi32>
    %gather3A_128 = tpu.dynamic_gather %get3A_8[%gather3A_127] in [0] : vector<16xf32>, vector<16xi32> -> vector<16xf32>
    %broadcast_in_dim3A_129 = arith.constant 10 : i32
    %broadcast_in_dim3A_130 = vector.broadcast %broadcast_in_dim3A_129 : i32 to vector<16xi32>
    %lt3A_131 = arith.constant 0 : i32
    %lt3A_132 = vector.broadcast %lt3A_131 : i32 to vector<16xi32>
    %lt3A_133 = arith.cmpi slt, %broadcast_in_dim3A_130, %lt3A_132 : vector<16xi32>
    %add3A_134 = arith.constant 16 : i32
    %add3A_135 = vector.broadcast %add3A_134 : i32 to vector<16xi32>
    %add3A_136 = arith.addi %broadcast_in_dim3A_130, %add3A_135 : vector<16xi32>
    %select_n3A_137 = arith.select %lt3A_133, %add3A_136, %broadcast_in_dim3A_130 : vector<16xi1>, vector<16xi32>
    %broadcast_in_dim3A_138 = vector.shape_cast %select_n3A_137 : vector<16xi32> to vector<16x1xi32>
    %gather3A_139 = vector.shape_cast %broadcast_in_dim3A_138 : vector<16x1xi32> to vector<16xi32>
    %gather3A_140 = tpu.dynamic_gather %get3A_8[%gather3A_139] in [0] : vector<16xf32>, vector<16xi32> -> vector<16xf32>
    %broadcast_in_dim3A_141 = arith.constant 11 : i32
    %broadcast_in_dim3A_142 = vector.broadcast %broadcast_in_dim3A_141 : i32 to vector<16xi32>
    %lt3A_143 = arith.constant 0 : i32
    %lt3A_144 = vector.broadcast %lt3A_143 : i32 to vector<16xi32>
    %lt3A_145 = arith.cmpi slt, %broadcast_in_dim3A_142, %lt3A_144 : vector<16xi32>
    %add3A_146 = arith.constant 16 : i32
    %add3A_147 = vector.broadcast %add3A_146 : i32 to vector<16xi32>
    %add3A_148 = arith.addi %broadcast_in_dim3A_142, %add3A_147 : vector<16xi32>
    %select_n3A_149 = arith.select %lt3A_145, %add3A_148, %broadcast_in_dim3A_142 : vector<16xi1>, vector<16xi32>
    %broadcast_in_dim3A_150 = vector.shape_cast %select_n3A_149 : vector<16xi32> to vector<16x1xi32>
    %gather3A_151 = vector.shape_cast %broadcast_in_dim3A_150 : vector<16x1xi32> to vector<16xi32>
    %gather3A_152 = tpu.dynamic_gather %get3A_8[%gather3A_151] in [0] : vector<16xf32>, vector<16xi32> -> vector<16xf32>
    %broadcast_in_dim3A_153 = arith.constant 12 : i32
    %broadcast_in_dim3A_154 = vector.broadcast %broadcast_in_dim3A_153 : i32 to vector<16xi32>
    %lt3A_155 = arith.constant 0 : i32
    %lt3A_156 = vector.broadcast %lt3A_155 : i32 to vector<16xi32>
    %lt3A_157 = arith.cmpi slt, %broadcast_in_dim3A_154, %lt3A_156 : vector<16xi32>
    %add3A_158 = arith.constant 16 : i32
    %add3A_159 = vector.broadcast %add3A_158 : i32 to vector<16xi32>
    %add3A_160 = arith.addi %broadcast_in_dim3A_154, %add3A_159 : vector<16xi32>
    %select_n3A_161 = arith.select %lt3A_157, %add3A_160, %broadcast_in_dim3A_154 : vector<16xi1>, vector<16xi32>
    %broadcast_in_dim3A_162 = vector.shape_cast %select_n3A_161 : vector<16xi32> to vector<16x1xi32>
    %gather3A_163 = vector.shape_cast %broadcast_in_dim3A_162 : vector<16x1xi32> to vector<16xi32>
    %gather3A_164 = tpu.dynamic_gather %get3A_8[%gather3A_163] in [0] : vector<16xf32>, vector<16xi32> -> vector<16xf32>
    %broadcast_in_dim3A_165 = arith.constant 13 : i32
    %broadcast_in_dim3A_166 = vector.broadcast %broadcast_in_dim3A_165 : i32 to vector<16xi32>
    %lt3A_167 = arith.constant 0 : i32
    %lt3A_168 = vector.broadcast %lt3A_167 : i32 to vector<16xi32>
    %lt3A_169 = arith.cmpi slt, %broadcast_in_dim3A_166, %lt3A_168 : vector<16xi32>
    %add3A_170 = arith.constant 16 : i32
    %add3A_171 = vector.broadcast %add3A_170 : i32 to vector<16xi32>
    %add3A_172 = arith.addi %broadcast_in_dim3A_166, %add3A_171 : vector<16xi32>
    %select_n3A_173 = arith.select %lt3A_169, %add3A_172, %broadcast_in_dim3A_166 : vector<16xi1>, vector<16xi32>
    %broadcast_in_dim3A_174 = vector.shape_cast %select_n3A_173 : vector<16xi32> to vector<16x1xi32>
    %gather3A_175 = vector.shape_cast %broadcast_in_dim3A_174 : vector<16x1xi32> to vector<16xi32>
    %gather3A_176 = tpu.dynamic_gather %get3A_8[%gather3A_175] in [0] : vector<16xf32>, vector<16xi32> -> vector<16xf32>
    %broadcast_in_dim3A_177 = arith.constant 14 : i32
    %broadcast_in_dim3A_178 = vector.broadcast %broadcast_in_dim3A_177 : i32 to vector<16xi32>
    %lt3A_179 = arith.constant 0 : i32
    %lt3A_180 = vector.broadcast %lt3A_179 : i32 to vector<16xi32>
    %lt3A_181 = arith.cmpi slt, %broadcast_in_dim3A_178, %lt3A_180 : vector<16xi32>
    %add3A_182 = arith.constant 16 : i32
    %add3A_183 = vector.broadcast %add3A_182 : i32 to vector<16xi32>
    %add3A_184 = arith.addi %broadcast_in_dim3A_178, %add3A_183 : vector<16xi32>
    %select_n3A_185 = arith.select %lt3A_181, %add3A_184, %broadcast_in_dim3A_178 : vector<16xi1>, vector<16xi32>
    %broadcast_in_dim3A_186 = vector.shape_cast %select_n3A_185 : vector<16xi32> to vector<16x1xi32>
    %gather3A_187 = vector.shape_cast %broadcast_in_dim3A_186 : vector<16x1xi32> to vector<16xi32>
    %gather3A_188 = tpu.dynamic_gather %get3A_8[%gather3A_187] in [0] : vector<16xf32>, vector<16xi32> -> vector<16xf32>
    %broadcast_in_dim3A_189 = arith.constant 15 : i32
    %broadcast_in_dim3A_190 = vector.broadcast %broadcast_in_dim3A_189 : i32 to vector<16xi32>
    %lt3A_191 = arith.constant 0 : i32
    %lt3A_192 = vector.broadcast %lt3A_191 : i32 to vector<16xi32>
    %lt3A_193 = arith.cmpi slt, %broadcast_in_dim3A_190, %lt3A_192 : vector<16xi32>
    %add3A_194 = arith.constant 16 : i32
    %add3A_195 = vector.broadcast %add3A_194 : i32 to vector<16xi32>
    %add3A_196 = arith.addi %broadcast_in_dim3A_190, %add3A_195 : vector<16xi32>
    %select_n3A_197 = arith.select %lt3A_193, %add3A_196, %broadcast_in_dim3A_190 : vector<16xi1>, vector<16xi32>
    %broadcast_in_dim3A_198 = vector.shape_cast %select_n3A_197 : vector<16xi32> to vector<16x1xi32>
    %gather3A_199 = vector.shape_cast %broadcast_in_dim3A_198 : vector<16x1xi32> to vector<16xi32>
    %gather3A_200 = tpu.dynamic_gather %get3A_8[%gather3A_199] in [0] : vector<16xf32>, vector<16xi32> -> vector<16xf32>
    %broadcast_in_dim3A_201 = arith.constant 0 : i32
    %broadcast_in_dim3A_202 = vector.broadcast %broadcast_in_dim3A_201 : i32 to vector<16xi32>
    %lt3A_203 = arith.constant 0 : i32
    %lt3A_204 = vector.broadcast %lt3A_203 : i32 to vector<16xi32>
    %lt3A_205 = arith.cmpi slt, %broadcast_in_dim3A_202, %lt3A_204 : vector<16xi32>
    %add3A_206 = arith.constant 16 : i32
    %add3A_207 = vector.broadcast %add3A_206 : i32 to vector<16xi32>
    %add3A_208 = arith.addi %broadcast_in_dim3A_202, %add3A_207 : vector<16xi32>
    %select_n3A_209 = arith.select %lt3A_205, %add3A_208, %broadcast_in_dim3A_202 : vector<16xi1>, vector<16xi32>
    %broadcast_in_dim3A_210 = vector.shape_cast %select_n3A_209 : vector<16xi32> to vector<16x1xi32>
    %gather3A_211 = vector.shape_cast %broadcast_in_dim3A_210 : vector<16x1xi32> to vector<16xi32>
    %gather3A_212 = tpu.dynamic_gather %get3A_12[%gather3A_211] in [0] : vector<16xf32>, vector<16xi32> -> vector<16xf32>
    %broadcast_in_dim3A_213 = arith.constant 1 : i32
    %broadcast_in_dim3A_214 = vector.broadcast %broadcast_in_dim3A_213 : i32 to vector<16xi32>
    %lt3A_215 = arith.constant 0 : i32
    %lt3A_216 = vector.broadcast %lt3A_215 : i32 to vector<16xi32>
    %lt3A_217 = arith.cmpi slt, %broadcast_in_dim3A_214, %lt3A_216 : vector<16xi32>
    %add3A_218 = arith.constant 16 : i32
    %add3A_219 = vector.broadcast %add3A_218 : i32 to vector<16xi32>
    %add3A_220 = arith.addi %broadcast_in_dim3A_214, %add3A_219 : vector<16xi32>
    %select_n3A_221 = arith.select %lt3A_217, %add3A_220, %broadcast_in_dim3A_214 : vector<16xi1>, vector<16xi32>
    %broadcast_in_dim3A_222 = vector.shape_cast %select_n3A_221 : vector<16xi32> to vector<16x1xi32>
    %gather3A_223 = vector.shape_cast %broadcast_in_dim3A_222 : vector<16x1xi32> to vector<16xi32>
    %gather3A_224 = tpu.dynamic_gather %get3A_12[%gather3A_223] in [0] : vector<16xf32>, vector<16xi32> -> vector<16xf32>
    %broadcast_in_dim3A_225 = arith.constant 2 : i32
    %broadcast_in_dim3A_226 = vector.broadcast %broadcast_in_dim3A_225 : i32 to vector<16xi32>
    %lt3A_227 = arith.constant 0 : i32
    %lt3A_228 = vector.broadcast %lt3A_227 : i32 to vector<16xi32>
    %lt3A_229 = arith.cmpi slt, %broadcast_in_dim3A_226, %lt3A_228 : vector<16xi32>
    %add3A_230 = arith.constant 16 : i32
    %add3A_231 = vector.broadcast %add3A_230 : i32 to vector<16xi32>
    %add3A_232 = arith.addi %broadcast_in_dim3A_226, %add3A_231 : vector<16xi32>
    %select_n3A_233 = arith.select %lt3A_229, %add3A_232, %broadcast_in_dim3A_226 : vector<16xi1>, vector<16xi32>
    %broadcast_in_dim3A_234 = vector.shape_cast %select_n3A_233 : vector<16xi32> to vector<16x1xi32>
    %gather3A_235 = vector.shape_cast %broadcast_in_dim3A_234 : vector<16x1xi32> to vector<16xi32>
    %gather3A_236 = tpu.dynamic_gather %get3A_12[%gather3A_235] in [0] : vector<16xf32>, vector<16xi32> -> vector<16xf32>
    %broadcast_in_dim3A_237 = arith.constant 3 : i32
    %broadcast_in_dim3A_238 = vector.broadcast %broadcast_in_dim3A_237 : i32 to vector<16xi32>
    %lt3A_239 = arith.constant 0 : i32
    %lt3A_240 = vector.broadcast %lt3A_239 : i32 to vector<16xi32>
    %lt3A_241 = arith.cmpi slt, %broadcast_in_dim3A_238, %lt3A_240 : vector<16xi32>
    %add3A_242 = arith.constant 16 : i32
    %add3A_243 = vector.broadcast %add3A_242 : i32 to vector<16xi32>
    %add3A_244 = arith.addi %broadcast_in_dim3A_238, %add3A_243 : vector<16xi32>
    %select_n3A_245 = arith.select %lt3A_241, %add3A_244, %broadcast_in_dim3A_238 : vector<16xi1>, vector<16xi32>
    %broadcast_in_dim3A_246 = vector.shape_cast %select_n3A_245 : vector<16xi32> to vector<16x1xi32>
    %gather3A_247 = vector.shape_cast %broadcast_in_dim3A_246 : vector<16x1xi32> to vector<16xi32>
    %gather3A_248 = tpu.dynamic_gather %get3A_12[%gather3A_247] in [0] : vector<16xf32>, vector<16xi32> -> vector<16xf32>
    %broadcast_in_dim3A_249 = arith.constant 4 : i32
    %broadcast_in_dim3A_250 = vector.broadcast %broadcast_in_dim3A_249 : i32 to vector<16xi32>
    %lt3A_251 = arith.constant 0 : i32
    %lt3A_252 = vector.broadcast %lt3A_251 : i32 to vector<16xi32>
    %lt3A_253 = arith.cmpi slt, %broadcast_in_dim3A_250, %lt3A_252 : vector<16xi32>
    %add3A_254 = arith.constant 16 : i32
    %add3A_255 = vector.broadcast %add3A_254 : i32 to vector<16xi32>
    %add3A_256 = arith.addi %broadcast_in_dim3A_250, %add3A_255 : vector<16xi32>
    %select_n3A_257 = arith.select %lt3A_253, %add3A_256, %broadcast_in_dim3A_250 : vector<16xi1>, vector<16xi32>
    %broadcast_in_dim3A_258 = vector.shape_cast %select_n3A_257 : vector<16xi32> to vector<16x1xi32>
    %gather3A_259 = vector.shape_cast %broadcast_in_dim3A_258 : vector<16x1xi32> to vector<16xi32>
    %gather3A_260 = tpu.dynamic_gather %get3A_12[%gather3A_259] in [0] : vector<16xf32>, vector<16xi32> -> vector<16xf32>
    %broadcast_in_dim3A_261 = arith.constant 5 : i32
    %broadcast_in_dim3A_262 = vector.broadcast %broadcast_in_dim3A_261 : i32 to vector<16xi32>
    %lt3A_263 = arith.constant 0 : i32
    %lt3A_264 = vector.broadcast %lt3A_263 : i32 to vector<16xi32>
    %lt3A_265 = arith.cmpi slt, %broadcast_in_dim3A_262, %lt3A_264 : vector<16xi32>
    %add3A_266 = arith.constant 16 : i32
    %add3A_267 = vector.broadcast %add3A_266 : i32 to vector<16xi32>
    %add3A_268 = arith.addi %broadcast_in_dim3A_262, %add3A_267 : vector<16xi32>
    %select_n3A_269 = arith.select %lt3A_265, %add3A_268, %broadcast_in_dim3A_262 : vector<16xi1>, vector<16xi32>
    %broadcast_in_dim3A_270 = vector.shape_cast %select_n3A_269 : vector<16xi32> to vector<16x1xi32>
    %gather3A_271 = vector.shape_cast %broadcast_in_dim3A_270 : vector<16x1xi32> to vector<16xi32>
    %gather3A_272 = tpu.dynamic_gather %get3A_12[%gather3A_271] in [0] : vector<16xf32>, vector<16xi32> -> vector<16xf32>
    %broadcast_in_dim3A_273 = arith.constant 6 : i32
    %broadcast_in_dim3A_274 = vector.broadcast %broadcast_in_dim3A_273 : i32 to vector<16xi32>
    %lt3A_275 = arith.constant 0 : i32
    %lt3A_276 = vector.broadcast %lt3A_275 : i32 to vector<16xi32>
    %lt3A_277 = arith.cmpi slt, %broadcast_in_dim3A_274, %lt3A_276 : vector<16xi32>
    %add3A_278 = arith.constant 16 : i32
    %add3A_279 = vector.broadcast %add3A_278 : i32 to vector<16xi32>
    %add3A_280 = arith.addi %broadcast_in_dim3A_274, %add3A_279 : vector<16xi32>
    %select_n3A_281 = arith.select %lt3A_277, %add3A_280, %broadcast_in_dim3A_274 : vector<16xi1>, vector<16xi32>
    %broadcast_in_dim3A_282 = vector.shape_cast %select_n3A_281 : vector<16xi32> to vector<16x1xi32>
    %gather3A_283 = vector.shape_cast %broadcast_in_dim3A_282 : vector<16x1xi32> to vector<16xi32>
    %gather3A_284 = tpu.dynamic_gather %get3A_12[%gather3A_283] in [0] : vector<16xf32>, vector<16xi32> -> vector<16xf32>
    %broadcast_in_dim3A_285 = arith.constant 7 : i32
    %broadcast_in_dim3A_286 = vector.broadcast %broadcast_in_dim3A_285 : i32 to vector<16xi32>
    %lt3A_287 = arith.constant 0 : i32
    %lt3A_288 = vector.broadcast %lt3A_287 : i32 to vector<16xi32>
    %lt3A_289 = arith.cmpi slt, %broadcast_in_dim3A_286, %lt3A_288 : vector<16xi32>
    %add3A_290 = arith.constant 16 : i32
    %add3A_291 = vector.broadcast %add3A_290 : i32 to vector<16xi32>
    %add3A_292 = arith.addi %broadcast_in_dim3A_286, %add3A_291 : vector<16xi32>
    %select_n3A_293 = arith.select %lt3A_289, %add3A_292, %broadcast_in_dim3A_286 : vector<16xi1>, vector<16xi32>
    %broadcast_in_dim3A_294 = vector.shape_cast %select_n3A_293 : vector<16xi32> to vector<16x1xi32>
    %gather3A_295 = vector.shape_cast %broadcast_in_dim3A_294 : vector<16x1xi32> to vector<16xi32>
    %gather3A_296 = tpu.dynamic_gather %get3A_12[%gather3A_295] in [0] : vector<16xf32>, vector<16xi32> -> vector<16xf32>
    %broadcast_in_dim3A_297 = arith.constant 8 : i32
    %broadcast_in_dim3A_298 = vector.broadcast %broadcast_in_dim3A_297 : i32 to vector<16xi32>
    %lt3A_299 = arith.constant 0 : i32
    %lt3A_300 = vector.broadcast %lt3A_299 : i32 to vector<16xi32>
    %lt3A_301 = arith.cmpi slt, %broadcast_in_dim3A_298, %lt3A_300 : vector<16xi32>
    %add3A_302 = arith.constant 16 : i32
    %add3A_303 = vector.broadcast %add3A_302 : i32 to vector<16xi32>
    %add3A_304 = arith.addi %broadcast_in_dim3A_298, %add3A_303 : vector<16xi32>
    %select_n3A_305 = arith.select %lt3A_301, %add3A_304, %broadcast_in_dim3A_298 : vector<16xi1>, vector<16xi32>
    %broadcast_in_dim3A_306 = vector.shape_cast %select_n3A_305 : vector<16xi32> to vector<16x1xi32>
    %gather3A_307 = vector.shape_cast %broadcast_in_dim3A_306 : vector<16x1xi32> to vector<16xi32>
    %gather3A_308 = tpu.dynamic_gather %get3A_12[%gather3A_307] in [0] : vector<16xf32>, vector<16xi32> -> vector<16xf32>
    %broadcast_in_dim3A_309 = arith.constant 9 : i32
    %broadcast_in_dim3A_310 = vector.broadcast %broadcast_in_dim3A_309 : i32 to vector<16xi32>
    %lt3A_311 = arith.constant 0 : i32
    %lt3A_312 = vector.broadcast %lt3A_311 : i32 to vector<16xi32>
    %lt3A_313 = arith.cmpi slt, %broadcast_in_dim3A_310, %lt3A_312 : vector<16xi32>
    %add3A_314 = arith.constant 16 : i32
    %add3A_315 = vector.broadcast %add3A_314 : i32 to vector<16xi32>
    %add3A_316 = arith.addi %broadcast_in_dim3A_310, %add3A_315 : vector<16xi32>
    %select_n3A_317 = arith.select %lt3A_313, %add3A_316, %broadcast_in_dim3A_310 : vector<16xi1>, vector<16xi32>
    %broadcast_in_dim3A_318 = vector.shape_cast %select_n3A_317 : vector<16xi32> to vector<16x1xi32>
    %gather3A_319 = vector.shape_cast %broadcast_in_dim3A_318 : vector<16x1xi32> to vector<16xi32>
    %gather3A_320 = tpu.dynamic_gather %get3A_12[%gather3A_319] in [0] : vector<16xf32>, vector<16xi32> -> vector<16xf32>
    %broadcast_in_dim3A_321 = arith.constant 10 : i32
    %broadcast_in_dim3A_322 = vector.broadcast %broadcast_in_dim3A_321 : i32 to vector<16xi32>
    %lt3A_323 = arith.constant 0 : i32
    %lt3A_324 = vector.broadcast %lt3A_323 : i32 to vector<16xi32>
    %lt3A_325 = arith.cmpi slt, %broadcast_in_dim3A_322, %lt3A_324 : vector<16xi32>
    %add3A_326 = arith.constant 16 : i32
    %add3A_327 = vector.broadcast %add3A_326 : i32 to vector<16xi32>
    %add3A_328 = arith.addi %broadcast_in_dim3A_322, %add3A_327 : vector<16xi32>
    %select_n3A_329 = arith.select %lt3A_325, %add3A_328, %broadcast_in_dim3A_322 : vector<16xi1>, vector<16xi32>
    %broadcast_in_dim3A_330 = vector.shape_cast %select_n3A_329 : vector<16xi32> to vector<16x1xi32>
    %gather3A_331 = vector.shape_cast %broadcast_in_dim3A_330 : vector<16x1xi32> to vector<16xi32>
    %gather3A_332 = tpu.dynamic_gather %get3A_12[%gather3A_331] in [0] : vector<16xf32>, vector<16xi32> -> vector<16xf32>
    %broadcast_in_dim3A_333 = arith.constant 11 : i32
    %broadcast_in_dim3A_334 = vector.broadcast %broadcast_in_dim3A_333 : i32 to vector<16xi32>
    %lt3A_335 = arith.constant 0 : i32
    %lt3A_336 = vector.broadcast %lt3A_335 : i32 to vector<16xi32>
    %lt3A_337 = arith.cmpi slt, %broadcast_in_dim3A_334, %lt3A_336 : vector<16xi32>
    %add3A_338 = arith.constant 16 : i32
    %add3A_339 = vector.broadcast %add3A_338 : i32 to vector<16xi32>
    %add3A_340 = arith.addi %broadcast_in_dim3A_334, %add3A_339 : vector<16xi32>
    %select_n3A_341 = arith.select %lt3A_337, %add3A_340, %broadcast_in_dim3A_334 : vector<16xi1>, vector<16xi32>
    %broadcast_in_dim3A_342 = vector.shape_cast %select_n3A_341 : vector<16xi32> to vector<16x1xi32>
    %gather3A_343 = vector.shape_cast %broadcast_in_dim3A_342 : vector<16x1xi32> to vector<16xi32>
    %gather3A_344 = tpu.dynamic_gather %get3A_12[%gather3A_343] in [0] : vector<16xf32>, vector<16xi32> -> vector<16xf32>
    %broadcast_in_dim3A_345 = arith.constant 12 : i32
    %broadcast_in_dim3A_346 = vector.broadcast %broadcast_in_dim3A_345 : i32 to vector<16xi32>
    %lt3A_347 = arith.constant 0 : i32
    %lt3A_348 = vector.broadcast %lt3A_347 : i32 to vector<16xi32>
    %lt3A_349 = arith.cmpi slt, %broadcast_in_dim3A_346, %lt3A_348 : vector<16xi32>
    %add3A_350 = arith.constant 16 : i32
    %add3A_351 = vector.broadcast %add3A_350 : i32 to vector<16xi32>
    %add3A_352 = arith.addi %broadcast_in_dim3A_346, %add3A_351 : vector<16xi32>
    %select_n3A_353 = arith.select %lt3A_349, %add3A_352, %broadcast_in_dim3A_346 : vector<16xi1>, vector<16xi32>
    %broadcast_in_dim3A_354 = vector.shape_cast %select_n3A_353 : vector<16xi32> to vector<16x1xi32>
    %gather3A_355 = vector.shape_cast %broadcast_in_dim3A_354 : vector<16x1xi32> to vector<16xi32>
    %gather3A_356 = tpu.dynamic_gather %get3A_12[%gather3A_355] in [0] : vector<16xf32>, vector<16xi32> -> vector<16xf32>
    %broadcast_in_dim3A_357 = arith.constant 13 : i32
    %broadcast_in_dim3A_358 = vector.broadcast %broadcast_in_dim3A_357 : i32 to vector<16xi32>
    %lt3A_359 = arith.constant 0 : i32
    %lt3A_360 = vector.broadcast %lt3A_359 : i32 to vector<16xi32>
    %lt3A_361 = arith.cmpi slt, %broadcast_in_dim3A_358, %lt3A_360 : vector<16xi32>
    %add3A_362 = arith.constant 16 : i32
    %add3A_363 = vector.broadcast %add3A_362 : i32 to vector<16xi32>
    %add3A_364 = arith.addi %broadcast_in_dim3A_358, %add3A_363 : vector<16xi32>
    %select_n3A_365 = arith.select %lt3A_361, %add3A_364, %broadcast_in_dim3A_358 : vector<16xi1>, vector<16xi32>
    %broadcast_in_dim3A_366 = vector.shape_cast %select_n3A_365 : vector<16xi32> to vector<16x1xi32>
    %gather3A_367 = vector.shape_cast %broadcast_in_dim3A_366 : vector<16x1xi32> to vector<16xi32>
    %gather3A_368 = tpu.dynamic_gather %get3A_12[%gather3A_367] in [0] : vector<16xf32>, vector<16xi32> -> vector<16xf32>
    %broadcast_in_dim3A_369 = arith.constant 14 : i32
    %broadcast_in_dim3A_370 = vector.broadcast %broadcast_in_dim3A_369 : i32 to vector<16xi32>
    %lt3A_371 = arith.constant 0 : i32
    %lt3A_372 = vector.broadcast %lt3A_371 : i32 to vector<16xi32>
    %lt3A_373 = arith.cmpi slt, %broadcast_in_dim3A_370, %lt3A_372 : vector<16xi32>
    %add3A_374 = arith.constant 16 : i32
    %add3A_375 = vector.broadcast %add3A_374 : i32 to vector<16xi32>
    %add3A_376 = arith.addi %broadcast_in_dim3A_370, %add3A_375 : vector<16xi32>
    %select_n3A_377 = arith.select %lt3A_373, %add3A_376, %broadcast_in_dim3A_370 : vector<16xi1>, vector<16xi32>
    %broadcast_in_dim3A_378 = vector.shape_cast %select_n3A_377 : vector<16xi32> to vector<16x1xi32>
    %gather3A_379 = vector.shape_cast %broadcast_in_dim3A_378 : vector<16x1xi32> to vector<16xi32>
    %gather3A_380 = tpu.dynamic_gather %get3A_12[%gather3A_379] in [0] : vector<16xf32>, vector<16xi32> -> vector<16xf32>
    %broadcast_in_dim3A_381 = arith.constant 15 : i32
    %broadcast_in_dim3A_382 = vector.broadcast %broadcast_in_dim3A_381 : i32 to vector<16xi32>
    %lt3A_383 = arith.constant 0 : i32
    %lt3A_384 = vector.broadcast %lt3A_383 : i32 to vector<16xi32>
    %lt3A_385 = arith.cmpi slt, %broadcast_in_dim3A_382, %lt3A_384 : vector<16xi32>
    %add3A_386 = arith.constant 16 : i32
    %add3A_387 = vector.broadcast %add3A_386 : i32 to vector<16xi32>
    %add3A_388 = arith.addi %broadcast_in_dim3A_382, %add3A_387 : vector<16xi32>
    %select_n3A_389 = arith.select %lt3A_385, %add3A_388, %broadcast_in_dim3A_382 : vector<16xi1>, vector<16xi32>
    %broadcast_in_dim3A_390 = vector.shape_cast %select_n3A_389 : vector<16xi32> to vector<16x1xi32>
    %gather3A_391 = vector.shape_cast %broadcast_in_dim3A_390 : vector<16x1xi32> to vector<16xi32>
    %gather3A_392 = tpu.dynamic_gather %get3A_12[%gather3A_391] in [0] : vector<16xf32>, vector<16xi32> -> vector<16xf32>
    %dma_wait3A = arith.constant 0 : i32
    %dma_wait3A_393 = tpu.memref_slice %arg2[%dma_wait3A, %mul3A_2] : memref<32x32769xf32, #tpu.memory_space<hbm>> -> memref<32x1024xf32, #tpu.memory_space<hbm>>
    %dma_wait3A_394 = arith.constant 0 : i32
    %dma_wait3A_395 = tpu.memref_slice %arg2[%dma_wait3A_394, %mul3A_2] : memref<32x32769xf32, #tpu.memory_space<hbm>> -> memref<32x1024xf32, #tpu.memory_space<hbm>>
    tpu.wait_dma2 semaphore(%arg8 : memref<!tpu.dma_semaphore, #tpu.memory_space<semaphore_mem>>) src(%dma_wait3A_395 : memref<32x1024xf32, #tpu.memory_space<hbm>>) dst(%arg5 : memref<32x1024xf32, #tpu.memory_space<vmem>>)
    %scan3A = arith.constant 0 : i32
    %scan3A_396 = arith.constant 0 : i32
    %scan3A_397 = arith.constant 64 : i32
    %scan3A_398 = arith.addi %scan3A_396, %scan3A_397 : i32
    %scan3A_399 = arith.constant 1 : i32
    scf.for %scan3A_401 = %scan3A_396 to %scan3A_398 step %scan3A_399  : i32 {
      %mul3A_402 = arith.constant 16 : i32
      %mul3A_403 = arith.muli %scan3A_401, %mul3A_402 : i32
      %multiple_of3A = tpu.assume_multiple %mul3A_403, 16 : i32
      %broadcast_in_dim3A_404 = arith.constant 0.000000e+00 : f32
      %broadcast_in_dim3A_405 = vector.broadcast %broadcast_in_dim3A_404 : f32 to vector<16xf32>
      %broadcast_in_dim3A_406 = arith.constant 0.000000e+00 : f32
      %broadcast_in_dim3A_407 = vector.broadcast %broadcast_in_dim3A_406 : f32 to vector<16xf32>
      %broadcast_in_dim3A_408 = arith.constant 0.000000e+00 : f32
      %broadcast_in_dim3A_409 = vector.broadcast %broadcast_in_dim3A_408 : f32 to vector<16xf32>
      %broadcast_in_dim3A_410 = arith.constant 0.000000e+00 : f32
      %broadcast_in_dim3A_411 = vector.broadcast %broadcast_in_dim3A_410 : f32 to vector<16xf32>
      %get3A_412 = arith.constant 0 : i32
      %get3A_413 = arith.index_cast %get3A_412 : i32 to index
      %get3A_414 = arith.index_cast %multiple_of3A : i32 to index
      %get3A_415 = tpu.vector_load %arg5[%get3A_413, %get3A_414] {strides = array<i32>} : memref<32x1024xf32, #tpu.memory_space<vmem>>, vector<16xf32>,
      %mul3A_416 = arith.mulf %get3A_415, %gather3A_20 : vector<16xf32>
      %add3A_417 = arith.addf %broadcast_in_dim3A_405, %mul3A_416 : vector<16xf32>
      %get3A_418 = arith.constant 1 : i32
      %get3A_419 = arith.index_cast %get3A_418 : i32 to index
      %get3A_420 = arith.index_cast %multiple_of3A : i32 to index
      %get3A_421 = tpu.vector_load %arg5[%get3A_419, %get3A_420] {strides = array<i32>} : memref<32x1024xf32, #tpu.memory_space<vmem>>, vector<16xf32>,
      %mul3A_422 = arith.mulf %get3A_421, %gather3A_32 : vector<16xf32>
      %add3A_423 = arith.addf %broadcast_in_dim3A_407, %mul3A_422 : vector<16xf32>
      %get3A_424 = arith.constant 2 : i32
      %get3A_425 = arith.index_cast %get3A_424 : i32 to index
      %get3A_426 = arith.index_cast %multiple_of3A : i32 to index
      %get3A_427 = tpu.vector_load %arg5[%get3A_425, %get3A_426] {strides = array<i32>} : memref<32x1024xf32, #tpu.memory_space<vmem>>, vector<16xf32>,
      %mul3A_428 = arith.mulf %get3A_427, %gather3A_44 : vector<16xf32>
      %add3A_429 = arith.addf %broadcast_in_dim3A_409, %mul3A_428 : vector<16xf32>
      %get3A_430 = arith.constant 3 : i32
      %get3A_431 = arith.index_cast %get3A_430 : i32 to index
      %get3A_432 = arith.index_cast %multiple_of3A : i32 to index
      %get3A_433 = tpu.vector_load %arg5[%get3A_431, %get3A_432] {strides = array<i32>} : memref<32x1024xf32, #tpu.memory_space<vmem>>, vector<16xf32>,
      %mul3A_434 = arith.mulf %get3A_433, %gather3A_56 : vector<16xf32>
      %add3A_435 = arith.addf %broadcast_in_dim3A_411, %mul3A_434 : vector<16xf32>
      %get3A_436 = arith.constant 4 : i32
      %get3A_437 = arith.index_cast %get3A_436 : i32 to index
      %get3A_438 = arith.index_cast %multiple_of3A : i32 to index
      %get3A_439 = tpu.vector_load %arg5[%get3A_437, %get3A_438] {strides = array<i32>} : memref<32x1024xf32, #tpu.memory_space<vmem>>, vector<16xf32>,
      %mul3A_440 = arith.mulf %get3A_439, %gather3A_68 : vector<16xf32>
      %add3A_441 = arith.addf %add3A_417, %mul3A_440 : vector<16xf32>
      %get3A_442 = arith.constant 5 : i32
      %get3A_443 = arith.index_cast %get3A_442 : i32 to index
      %get3A_444 = arith.index_cast %multiple_of3A : i32 to index
      %get3A_445 = tpu.vector_load %arg5[%get3A_443, %get3A_444] {strides = array<i32>} : memref<32x1024xf32, #tpu.memory_space<vmem>>, vector<16xf32>,
      %mul3A_446 = arith.mulf %get3A_445, %gather3A_80 : vector<16xf32>
      %add3A_447 = arith.addf %add3A_423, %mul3A_446 : vector<16xf32>
      %get3A_448 = arith.constant 6 : i32
      %get3A_449 = arith.index_cast %get3A_448 : i32 to index
      %get3A_450 = arith.index_cast %multiple_of3A : i32 to index
      %get3A_451 = tpu.vector_load %arg5[%get3A_449, %get3A_450] {strides = array<i32>} : memref<32x1024xf32, #tpu.memory_space<vmem>>, vector<16xf32>,
      %mul3A_452 = arith.mulf %get3A_451, %gather3A_92 : vector<16xf32>
      %add3A_453 = arith.addf %add3A_429, %mul3A_452 : vector<16xf32>
      %get3A_454 = arith.constant 7 : i32
      %get3A_455 = arith.index_cast %get3A_454 : i32 to index
      %get3A_456 = arith.index_cast %multiple_of3A : i32 to index
      %get3A_457 = tpu.vector_load %arg5[%get3A_455, %get3A_456] {strides = array<i32>} : memref<32x1024xf32, #tpu.memory_space<vmem>>, vector<16xf32>,
      %mul3A_458 = arith.mulf %get3A_457, %gather3A_104 : vector<16xf32>
      %add3A_459 = arith.addf %add3A_435, %mul3A_458 : vector<16xf32>
      %get3A_460 = arith.constant 8 : i32
      %get3A_461 = arith.index_cast %get3A_460 : i32 to index
      %get3A_462 = arith.index_cast %multiple_of3A : i32 to index
      %get3A_463 = tpu.vector_load %arg5[%get3A_461, %get3A_462] {strides = array<i32>} : memref<32x1024xf32, #tpu.memory_space<vmem>>, vector<16xf32>,
      %mul3A_464 = arith.mulf %get3A_463, %gather3A_116 : vector<16xf32>
      %add3A_465 = arith.addf %add3A_441, %mul3A_464 : vector<16xf32>
      %get3A_466 = arith.constant 9 : i32
      %get3A_467 = arith.index_cast %get3A_466 : i32 to index
      %get3A_468 = arith.index_cast %multiple_of3A : i32 to index
      %get3A_469 = tpu.vector_load %arg5[%get3A_467, %get3A_468] {strides = array<i32>} : memref<32x1024xf32, #tpu.memory_space<vmem>>, vector<16xf32>,
      %mul3A_470 = arith.mulf %get3A_469, %gather3A_128 : vector<16xf32>
      %add3A_471 = arith.addf %add3A_447, %mul3A_470 : vector<16xf32>
      %get3A_472 = arith.constant 10 : i32
      %get3A_473 = arith.index_cast %get3A_472 : i32 to index
      %get3A_474 = arith.index_cast %multiple_of3A : i32 to index
      %get3A_475 = tpu.vector_load %arg5[%get3A_473, %get3A_474] {strides = array<i32>} : memref<32x1024xf32, #tpu.memory_space<vmem>>, vector<16xf32>,
      %mul3A_476 = arith.mulf %get3A_475, %gather3A_140 : vector<16xf32>
      %add3A_477 = arith.addf %add3A_453, %mul3A_476 : vector<16xf32>
      %get3A_478 = arith.constant 11 : i32
      %get3A_479 = arith.index_cast %get3A_478 : i32 to index
      %get3A_480 = arith.index_cast %multiple_of3A : i32 to index
      %get3A_481 = tpu.vector_load %arg5[%get3A_479, %get3A_480] {strides = array<i32>} : memref<32x1024xf32, #tpu.memory_space<vmem>>, vector<16xf32>,
      %mul3A_482 = arith.mulf %get3A_481, %gather3A_152 : vector<16xf32>
      %add3A_483 = arith.addf %add3A_459, %mul3A_482 : vector<16xf32>
      %get3A_484 = arith.constant 12 : i32
      %get3A_485 = arith.index_cast %get3A_484 : i32 to index
      %get3A_486 = arith.index_cast %multiple_of3A : i32 to index
      %get3A_487 = tpu.vector_load %arg5[%get3A_485, %get3A_486] {strides = array<i32>} : memref<32x1024xf32, #tpu.memory_space<vmem>>, vector<16xf32>,
      %mul3A_488 = arith.mulf %get3A_487, %gather3A_164 : vector<16xf32>
      %add3A_489 = arith.addf %add3A_465, %mul3A_488 : vector<16xf32>
      %get3A_490 = arith.constant 13 : i32
      %get3A_491 = arith.index_cast %get3A_490 : i32 to index
      %get3A_492 = arith.index_cast %multiple_of3A : i32 to index
      %get3A_493 = tpu.vector_load %arg5[%get3A_491, %get3A_492] {strides = array<i32>} : memref<32x1024xf32, #tpu.memory_space<vmem>>, vector<16xf32>,
      %mul3A_494 = arith.mulf %get3A_493, %gather3A_176 : vector<16xf32>
      %add3A_495 = arith.addf %add3A_471, %mul3A_494 : vector<16xf32>
      %get3A_496 = arith.constant 14 : i32
      %get3A_497 = arith.index_cast %get3A_496 : i32 to index
      %get3A_498 = arith.index_cast %multiple_of3A : i32 to index
      %get3A_499 = tpu.vector_load %arg5[%get3A_497, %get3A_498] {strides = array<i32>} : memref<32x1024xf32, #tpu.memory_space<vmem>>, vector<16xf32>,
      %mul3A_500 = arith.mulf %get3A_499, %gather3A_188 : vector<16xf32>
      %add3A_501 = arith.addf %add3A_477, %mul3A_500 : vector<16xf32>
      %get3A_502 = arith.constant 15 : i32
      %get3A_503 = arith.index_cast %get3A_502 : i32 to index
      %get3A_504 = arith.index_cast %multiple_of3A : i32 to index
      %get3A_505 = tpu.vector_load %arg5[%get3A_503, %get3A_504] {strides = array<i32>} : memref<32x1024xf32, #tpu.memory_space<vmem>>, vector<16xf32>,
      %mul3A_506 = arith.mulf %get3A_505, %gather3A_200 : vector<16xf32>
      %add3A_507 = arith.addf %add3A_483, %mul3A_506 : vector<16xf32>
      %get3A_508 = arith.constant 16 : i32
      %get3A_509 = arith.index_cast %get3A_508 : i32 to index
      %get3A_510 = arith.index_cast %multiple_of3A : i32 to index
      %get3A_511 = tpu.vector_load %arg5[%get3A_509, %get3A_510] {strides = array<i32>} : memref<32x1024xf32, #tpu.memory_space<vmem>>, vector<16xf32>,
      %mul3A_512 = arith.mulf %get3A_511, %gather3A_212 : vector<16xf32>
      %add3A_513 = arith.addf %add3A_489, %mul3A_512 : vector<16xf32>
      %get3A_514 = arith.constant 17 : i32
      %get3A_515 = arith.index_cast %get3A_514 : i32 to index
      %get3A_516 = arith.index_cast %multiple_of3A : i32 to index
      %get3A_517 = tpu.vector_load %arg5[%get3A_515, %get3A_516] {strides = array<i32>} : memref<32x1024xf32, #tpu.memory_space<vmem>>, vector<16xf32>,
      %mul3A_518 = arith.mulf %get3A_517, %gather3A_224 : vector<16xf32>
      %add3A_519 = arith.addf %add3A_495, %mul3A_518 : vector<16xf32>
      %get3A_520 = arith.constant 18 : i32
      %get3A_521 = arith.index_cast %get3A_520 : i32 to index
      %get3A_522 = arith.index_cast %multiple_of3A : i32 to index
      %get3A_523 = tpu.vector_load %arg5[%get3A_521, %get3A_522] {strides = array<i32>} : memref<32x1024xf32, #tpu.memory_space<vmem>>, vector<16xf32>,
      %mul3A_524 = arith.mulf %get3A_523, %gather3A_236 : vector<16xf32>
      %add3A_525 = arith.addf %add3A_501, %mul3A_524 : vector<16xf32>
      %get3A_526 = arith.constant 19 : i32
      %get3A_527 = arith.index_cast %get3A_526 : i32 to index
      %get3A_528 = arith.index_cast %multiple_of3A : i32 to index
      %get3A_529 = tpu.vector_load %arg5[%get3A_527, %get3A_528] {strides = array<i32>} : memref<32x1024xf32, #tpu.memory_space<vmem>>, vector<16xf32>,
      %mul3A_530 = arith.mulf %get3A_529, %gather3A_248 : vector<16xf32>
      %add3A_531 = arith.addf %add3A_507, %mul3A_530 : vector<16xf32>
      %get3A_532 = arith.constant 20 : i32
      %get3A_533 = arith.index_cast %get3A_532 : i32 to index
      %get3A_534 = arith.index_cast %multiple_of3A : i32 to index
      %get3A_535 = tpu.vector_load %arg5[%get3A_533, %get3A_534] {strides = array<i32>} : memref<32x1024xf32, #tpu.memory_space<vmem>>, vector<16xf32>,
      %mul3A_536 = arith.mulf %get3A_535, %gather3A_260 : vector<16xf32>
      %add3A_537 = arith.addf %add3A_513, %mul3A_536 : vector<16xf32>
      %get3A_538 = arith.constant 21 : i32
      %get3A_539 = arith.index_cast %get3A_538 : i32 to index
      %get3A_540 = arith.index_cast %multiple_of3A : i32 to index
      %get3A_541 = tpu.vector_load %arg5[%get3A_539, %get3A_540] {strides = array<i32>} : memref<32x1024xf32, #tpu.memory_space<vmem>>, vector<16xf32>,
      %mul3A_542 = arith.mulf %get3A_541, %gather3A_272 : vector<16xf32>
      %add3A_543 = arith.addf %add3A_519, %mul3A_542 : vector<16xf32>
      %get3A_544 = arith.constant 22 : i32
      %get3A_545 = arith.index_cast %get3A_544 : i32 to index
      %get3A_546 = arith.index_cast %multiple_of3A : i32 to index
      %get3A_547 = tpu.vector_load %arg5[%get3A_545, %get3A_546] {strides = array<i32>} : memref<32x1024xf32, #tpu.memory_space<vmem>>, vector<16xf32>,
      %mul3A_548 = arith.mulf %get3A_547, %gather3A_284 : vector<16xf32>
      %add3A_549 = arith.addf %add3A_525, %mul3A_548 : vector<16xf32>
      %get3A_550 = arith.constant 23 : i32
      %get3A_551 = arith.index_cast %get3A_550 : i32 to index
      %get3A_552 = arith.index_cast %multiple_of3A : i32 to index
      %get3A_553 = tpu.vector_load %arg5[%get3A_551, %get3A_552] {strides = array<i32>} : memref<32x1024xf32, #tpu.memory_space<vmem>>, vector<16xf32>,
      %mul3A_554 = arith.mulf %get3A_553, %gather3A_296 : vector<16xf32>
      %add3A_555 = arith.addf %add3A_531, %mul3A_554 : vector<16xf32>
      %get3A_556 = arith.constant 24 : i32
      %get3A_557 = arith.index_cast %get3A_556 : i32 to index
      %get3A_558 = arith.index_cast %multiple_of3A : i32 to index
      %get3A_559 = tpu.vector_load %arg5[%get3A_557, %get3A_558] {strides = array<i32>} : memref<32x1024xf32, #tpu.memory_space<vmem>>, vector<16xf32>,
      %mul3A_560 = arith.mulf %get3A_559, %gather3A_308 : vector<16xf32>
      %add3A_561 = arith.addf %add3A_537, %mul3A_560 : vector<16xf32>
      %get3A_562 = arith.constant 25 : i32
      %get3A_563 = arith.index_cast %get3A_562 : i32 to index
      %get3A_564 = arith.index_cast %multiple_of3A : i32 to index
      %get3A_565 = tpu.vector_load %arg5[%get3A_563, %get3A_564] {strides = array<i32>} : memref<32x1024xf32, #tpu.memory_space<vmem>>, vector<16xf32>,
      %mul3A_566 = arith.mulf %get3A_565, %gather3A_320 : vector<16xf32>
      %add3A_567 = arith.addf %add3A_543, %mul3A_566 : vector<16xf32>
      %get3A_568 = arith.constant 26 : i32
      %get3A_569 = arith.index_cast %get3A_568 : i32 to index
      %get3A_570 = arith.index_cast %multiple_of3A : i32 to index
      %get3A_571 = tpu.vector_load %arg5[%get3A_569, %get3A_570] {strides = array<i32>} : memref<32x1024xf32, #tpu.memory_space<vmem>>, vector<16xf32>,
      %mul3A_572 = arith.mulf %get3A_571, %gather3A_332 : vector<16xf32>
      %add3A_573 = arith.addf %add3A_549, %mul3A_572 : vector<16xf32>
      %get3A_574 = arith.constant 27 : i32
      %get3A_575 = arith.index_cast %get3A_574 : i32 to index
      %get3A_576 = arith.index_cast %multiple_of3A : i32 to index
      %get3A_577 = tpu.vector_load %arg5[%get3A_575, %get3A_576] {strides = array<i32>} : memref<32x1024xf32, #tpu.memory_space<vmem>>, vector<16xf32>,
      %mul3A_578 = arith.mulf %get3A_577, %gather3A_344 : vector<16xf32>
      %add3A_579 = arith.addf %add3A_555, %mul3A_578 : vector<16xf32>
      %get3A_580 = arith.constant 28 : i32
      %get3A_581 = arith.index_cast %get3A_580 : i32 to index
      %get3A_582 = arith.index_cast %multiple_of3A : i32 to index
      %get3A_583 = tpu.vector_load %arg5[%get3A_581, %get3A_582] {strides = array<i32>} : memref<32x1024xf32, #tpu.memory_space<vmem>>, vector<16xf32>,
      %mul3A_584 = arith.mulf %get3A_583, %gather3A_356 : vector<16xf32>
      %add3A_585 = arith.addf %add3A_561, %mul3A_584 : vector<16xf32>
      %get3A_586 = arith.constant 29 : i32
      %get3A_587 = arith.index_cast %get3A_586 : i32 to index
      %get3A_588 = arith.index_cast %multiple_of3A : i32 to index
      %get3A_589 = tpu.vector_load %arg5[%get3A_587, %get3A_588] {strides = array<i32>} : memref<32x1024xf32, #tpu.memory_space<vmem>>, vector<16xf32>,
      %mul3A_590 = arith.mulf %get3A_589, %gather3A_368 : vector<16xf32>
      %add3A_591 = arith.addf %add3A_567, %mul3A_590 : vector<16xf32>
      %get3A_592 = arith.constant 30 : i32
      %get3A_593 = arith.index_cast %get3A_592 : i32 to index
      %get3A_594 = arith.index_cast %multiple_of3A : i32 to index
      %get3A_595 = tpu.vector_load %arg5[%get3A_593, %get3A_594] {strides = array<i32>} : memref<32x1024xf32, #tpu.memory_space<vmem>>, vector<16xf32>,
      %mul3A_596 = arith.mulf %get3A_595, %gather3A_380 : vector<16xf32>
      %add3A_597 = arith.addf %add3A_573, %mul3A_596 : vector<16xf32>
      %get3A_598 = arith.constant 31 : i32
      %get3A_599 = arith.index_cast %get3A_598 : i32 to index
      %get3A_600 = arith.index_cast %multiple_of3A : i32 to index
      %get3A_601 = tpu.vector_load %arg5[%get3A_599, %get3A_600] {strides = array<i32>} : memref<32x1024xf32, #tpu.memory_space<vmem>>, vector<16xf32>,
      %mul3A_602 = arith.mulf %get3A_601, %gather3A_392 : vector<16xf32>
      %add3A_603 = arith.addf %add3A_579, %mul3A_602 : vector<16xf32>
      %add3A_604 = arith.addf %add3A_585, %add3A_591 : vector<16xf32>
      %add3A_605 = arith.addf %add3A_597, %add3A_603 : vector<16xf32>
      %add3A_606 = arith.addf %add3A_604, %add3A_605 : vector<16xf32>
      %swap3A = arith.index_cast %multiple_of3A : i32 to index
      %swap3A_607 = tpu.vector_load %arg6[%swap3A] {strides = array<i32>} : memref<1024xf32, #tpu.memory_space<vmem>>, vector<16xf32>,
      tpu.vector_store %arg6[%swap3A], %add3A_606 {strides = array<i32>} : memref<1024xf32, #tpu.memory_space<vmem>>, vector<16xf32>,
    }
    %scan3A_400 = arith.constant 64 : i32
    "tpu.region"() ({
      %run_scoped3A = tpu.sem_alloc : memref<!tpu.dma_semaphore, #tpu.memory_space<semaphore_mem>>
      %dma_start3A_401 = tpu.memref_slice %arg4[%mul3A_2] : memref<32768xf32, #tpu.memory_space<hbm>> -> memref<1024xf32, #tpu.memory_space<hbm>>
      %dma_start3A_402 = tpu.memref_slice %arg4[%mul3A_2] : memref<32768xf32, #tpu.memory_space<hbm>> -> memref<1024xf32, #tpu.memory_space<hbm>>
      tpu.enqueue_dma source(%arg6 : memref<1024xf32, #tpu.memory_space<vmem>>) target(%dma_start3A_402 : memref<1024xf32, #tpu.memory_space<hbm>>) target_semaphore(%run_scoped3A : memref<!tpu.dma_semaphore, #tpu.memory_space<semaphore_mem>>)
      %dma_wait3A_403 = tpu.memref_slice %arg4[%mul3A_2] : memref<32768xf32, #tpu.memory_space<hbm>> -> memref<1024xf32, #tpu.memory_space<hbm>>
      %dma_wait3A_404 = tpu.memref_slice %arg4[%mul3A_2] : memref<32768xf32, #tpu.memory_space<hbm>> -> memref<1024xf32, #tpu.memory_space<hbm>>
      tpu.wait_dma2 semaphore(%run_scoped3A : memref<!tpu.dma_semaphore, #tpu.memory_space<semaphore_mem>>) src(%arg6 : memref<1024xf32, #tpu.memory_space<vmem>>) dst(%dma_wait3A_404 : memref<1024xf32, #tpu.memory_space<hbm>>)
      tpu.yield
    }) : () -> ()
    return
  }
}

module attributes {stable_mosaic.version = 14 : i64} {
  func.func @_tc_softmax_body(%arg0: memref<256x128xf32, #tpu.memory_space<vmem>>, %arg1: memref<256x128xi32, #tpu.memory_space<vmem>>, %arg2: memref<1x32xf32, #tpu.memory_space<vmem>>, %arg3: memref<1x96xf32, #tpu.memory_space<vmem>>, %arg4: memref<256x128xf32, #tpu.memory_space<vmem>>, %arg5: memref<1x1xf32, #tpu.memory_space<smem>>, %arg6: memref<1x1xf32, #tpu.memory_space<smem>>, %arg7: memref<1x1xi32, #tpu.memory_space<smem>>) attributes {dimension_semantics = [], scalar_prefetch = 0 : i64, scratch_operands = 0 : i64, tpu.core_type = #tpu.core_type<tc>} {
    %get3A = arith.constant 0 : index
    %get3A_0 = arith.constant 0 : index
    %get3A_1 = vector.load %arg0[%get3A, %get3A_0] : memref<256x128xf32, #tpu.memory_space<vmem>>, vector<256x128xf32>
    %get3A_2 = arith.constant 0 : index
    %get3A_3 = arith.constant 0 : index
    %get3A_4 = vector.load %arg2[%get3A_2, %get3A_3] : memref<1x32xf32, #tpu.memory_space<vmem>>, vector<1x32xf32>
    %get3A_5 = arith.constant 0 : index
    %get3A_6 = arith.constant 0 : index
    %get3A_7 = vector.load %arg3[%get3A_5, %get3A_6] : memref<1x96xf32, #tpu.memory_space<vmem>>, vector<1x96xf32>
    %slice3A = vector.extract_strided_slice %get3A_7 {offsets = [0, 0], sizes = [1, 32], strides = [1, 1]} : vector<1x96xf32> to vector<1x32xf32>
    %mul3A = arith.mulf %get3A_4, %slice3A : vector<1x32xf32>
    %reduce_sum3A = vector.shape_cast %mul3A : vector<1x32xf32> to vector<1x1x32xf32>
    %reduce_sum3A_8 = arith.constant dense<0.000000e+00> : vector<1xf32>
    %reduce_sum3A_9 = vector.multi_reduction <add>, %reduce_sum3A, %reduce_sum3A_8 [1, 2] : vector<1x1x32xf32> to vector<1xf32>
    %reduce_sum3A_10 = vector.shape_cast %reduce_sum3A_9 : vector<1xf32> to vector<1x1x1xf32>
    %reduce_sum3A_11 = vector.extract %reduce_sum3A_10[0, 0, 0] : f32 from vector<1x1x1xf32>
    %slice3A_12 = vector.extract_strided_slice %get3A_1 {offsets = [0, 1], sizes = [256, 127], strides = [1, 1]} : vector<256x128xf32> to vector<256x127xf32>
    %slice3A_13 = vector.extract_strided_slice %get3A_1 {offsets = [0, 0], sizes = [256, 1], strides = [1, 1]} : vector<256x128xf32> to vector<256x1xf32>
    %concatenate3A = tpu.concatenate %slice3A_12, %slice3A_13 in 1 : vector<256x127xf32>, vector<256x1xf32> -> vector<256x128xf32>
    %slice3A_14 = vector.extract_strided_slice %get3A_1 {offsets = [0, 0], sizes = [256, 1], strides = [1, 1]} : vector<256x128xf32> to vector<256x1xf32>
    %slice3A_15 = vector.extract_strided_slice %slice3A_14 {offsets = [1, 0], sizes = [255, 1], strides = [1, 1]} : vector<256x1xf32> to vector<255x1xf32>
    %slice3A_16 = vector.extract_strided_slice %slice3A_14 {offsets = [0, 0], sizes = [1, 1], strides = [1, 1]} : vector<256x1xf32> to vector<1x1xf32>
    %concatenate3A_17 = tpu.concatenate %slice3A_15, %slice3A_16 in 0 : vector<255x1xf32>, vector<1x1xf32> -> vector<256x1xf32>
    %iota3A = tpu.iota {dimensions = array<i32: 1>} : vector<256x128xi32>
    %iota3A_18 = tpu.iota {dimensions = array<i32: 0>} : vector<256x128xi32>
    %eq3A = arith.constant 127 : i32
    %eq3A_19 = vector.broadcast %eq3A : i32 to vector<256x128xi32>
    %eq3A_20 = arith.cmpi eq, %iota3A, %eq3A_19 : vector<256x128xi32>
    %broadcast_in_dim3A = vector.shape_cast %concatenate3A_17 : vector<256x1xf32> to vector<256x1xf32>
    %broadcast_in_dim3A_21 = vector.broadcast %broadcast_in_dim3A : vector<256x1xf32> to vector<256x128xf32>
    %select_n3A = arith.select %eq3A_20, %broadcast_in_dim3A_21, %concatenate3A : vector<256x128xi1>, vector<256x128xf32>
    %mul3A_22 = arith.constant 128 : i32
    %mul3A_23 = vector.broadcast %mul3A_22 : i32 to vector<256x128xi32>
    %mul3A_24 = arith.muli %iota3A_18, %mul3A_23 : vector<256x128xi32>
    %add3A = arith.addi %mul3A_24, %iota3A : vector<256x128xi32>
    %eq3A_25 = arith.constant 32767 : i32
    %eq3A_26 = vector.broadcast %eq3A_25 : i32 to vector<256x128xi32>
    %eq3A_27 = arith.cmpi eq, %add3A, %eq3A_26 : vector<256x128xi32>
    %broadcast_in_dim3A_28 = vector.broadcast %reduce_sum3A_11 : f32 to vector<256x128xf32>
    %select_n3A_29 = arith.select %eq3A_27, %broadcast_in_dim3A_28, %select_n3A : vector<256x128xi1>, vector<256x128xf32>
    %reduce_max3A = vector.shape_cast %select_n3A_29 : vector<256x128xf32> to vector<1x256x128xf32>
    %reduce_max3A_30 = arith.constant dense<0xFF800000> : vector<1xf32>
    %reduce_max3A_31 = vector.multi_reduction <maximumf>, %reduce_max3A, %reduce_max3A_30 [1, 2] : vector<1x256x128xf32> to vector<1xf32>
    %reduce_max3A_32 = vector.shape_cast %reduce_max3A_31 : vector<1xf32> to vector<1x1x1xf32>
    %reduce_max3A_33 = vector.extract %reduce_max3A_32[0, 0, 0] : f32 from vector<1x1x1xf32>
    %sub3A = vector.broadcast %reduce_max3A_33 : f32 to vector<256x128xf32>
    %sub3A_34 = arith.subf %select_n3A_29, %sub3A : vector<256x128xf32>
    %exp3A = math.exp %sub3A_34 : vector<256x128xf32>
    %reduce_sum3A_35 = vector.shape_cast %exp3A : vector<256x128xf32> to vector<1x256x128xf32>
    %reduce_sum3A_36 = arith.constant dense<0.000000e+00> : vector<1xf32>
    %reduce_sum3A_37 = vector.multi_reduction <add>, %reduce_sum3A_35, %reduce_sum3A_36 [1, 2] : vector<1x256x128xf32> to vector<1xf32>
    %reduce_sum3A_38 = vector.shape_cast %reduce_sum3A_37 : vector<1xf32> to vector<1x1x1xf32>
    %reduce_sum3A_39 = vector.extract %reduce_sum3A_38[0, 0, 0] : f32 from vector<1x1x1xf32>
    %div3A = vector.broadcast %reduce_sum3A_39 : f32 to vector<256x128xf32>
    %div3A_40 = arith.divf %exp3A, %div3A : vector<256x128xf32>
    %swap3A = arith.constant 0 : index
    %swap3A_41 = arith.constant 0 : index
    %swap3A_42 = vector.load %arg4[%swap3A, %swap3A_41] : memref<256x128xf32, #tpu.memory_space<vmem>>, vector<256x128xf32>
    tpu.vector_store %arg4[%swap3A, %swap3A_41], %div3A_40 {strides = array<i32>} : memref<256x128xf32, #tpu.memory_space<vmem>>, vector<256x128xf32>,
    %reduce_max3A_43 = vector.shape_cast %div3A_40 : vector<256x128xf32> to vector<1x256x128xf32>
    %reduce_max3A_44 = arith.constant dense<0xFF800000> : vector<1xf32>
    %reduce_max3A_45 = vector.multi_reduction <maximumf>, %reduce_max3A_43, %reduce_max3A_44 [1, 2] : vector<1x256x128xf32> to vector<1xf32>
    %reduce_max3A_46 = vector.shape_cast %reduce_max3A_45 : vector<1xf32> to vector<1x1x1xf32>
    %reduce_max3A_47 = vector.extract %reduce_max3A_46[0, 0, 0] : f32 from vector<1x1x1xf32>
    %eq3A_48 = vector.broadcast %reduce_max3A_47 : f32 to vector<256x128xf32>
    %eq3A_49 = arith.cmpf oeq, %div3A_40, %eq3A_48 : vector<256x128xf32>
    %jit3A = arith.constant 1073741824 : i32
    %broadcast_in_dim3A_50 = vector.broadcast %jit3A : i32 to vector<256x128xi32>
    %select_n3A_51 = arith.select %eq3A_49, %add3A, %broadcast_in_dim3A_50 : vector<256x128xi1>, vector<256x128xi32>
    %reduce_min3A = vector.shape_cast %select_n3A_51 : vector<256x128xi32> to vector<1x256x128xi32>
    %reduce_min3A_52 = arith.constant dense<2147483647> : vector<1xi32>
    %reduce_min3A_53 = vector.multi_reduction <minsi>, %reduce_min3A, %reduce_min3A_52 [1, 2] : vector<1x256x128xi32> to vector<1xi32>
    %reduce_min3A_54 = vector.shape_cast %reduce_min3A_53 : vector<1xi32> to vector<1x1x1xi32>
    %reduce_min3A_55 = vector.extract %reduce_min3A_54[0, 0, 0] : i32 from vector<1x1x1xi32>
    %eq3A_56 = vector.broadcast %reduce_min3A_55 : i32 to vector<256x128xi32>
    %eq3A_57 = arith.cmpi eq, %add3A, %eq3A_56 : vector<256x128xi32>
    %get3A_58 = arith.constant 0 : index
    %get3A_59 = arith.constant 0 : index
    %get3A_60 = vector.load %arg1[%get3A_58, %get3A_59] : memref<256x128xi32, #tpu.memory_space<vmem>>, vector<256x128xi32>
    %jit3A_61 = arith.constant 0 : i32
    %broadcast_in_dim3A_62 = vector.broadcast %jit3A_61 : i32 to vector<256x128xi32>
    %select_n3A_63 = arith.select %eq3A_57, %get3A_60, %broadcast_in_dim3A_62 : vector<256x128xi1>, vector<256x128xi32>
    %reduce_sum3A_64 = vector.shape_cast %select_n3A_63 : vector<256x128xi32> to vector<1x256x128xi32>
    %reduce_sum3A_65 = arith.constant dense<0> : vector<1xi32>
    %reduce_sum3A_66 = vector.multi_reduction <add>, %reduce_sum3A_64, %reduce_sum3A_65 [1, 2] : vector<1x256x128xi32> to vector<1xi32>
    %reduce_sum3A_67 = vector.shape_cast %reduce_sum3A_66 : vector<1xi32> to vector<1x1x1xi32>
    %reduce_sum3A_68 = vector.extract %reduce_sum3A_67[0, 0, 0] : i32 from vector<1x1x1xi32>
    %swap3A_69 = arith.constant 0 : index
    %swap3A_70 = arith.constant 0 : index
    %swap3A_71 = memref.load %arg7[%swap3A_69, %swap3A_70] : memref<1x1xi32, #tpu.memory_space<smem>>
    memref.store %reduce_sum3A_68, %arg7[%swap3A_69, %swap3A_70] : memref<1x1xi32, #tpu.memory_space<smem>>
    %add3A_72 = arith.constant 9.99999996E-13 : f32
    %add3A_73 = arith.addf %reduce_max3A_47, %add3A_72 : f32
    %log3A = math.log %add3A_73 : f32
    %swap3A_74 = arith.constant 0 : index
    %swap3A_75 = arith.constant 0 : index
    %swap3A_76 = memref.load %arg5[%swap3A_74, %swap3A_75] : memref<1x1xf32, #tpu.memory_space<smem>>
    memref.store %log3A, %arg5[%swap3A_74, %swap3A_75] : memref<1x1xf32, #tpu.memory_space<smem>>
    %add3A_77 = arith.constant 9.99999996E-13 : f32
    %add3A_78 = vector.broadcast %add3A_77 : f32 to vector<256x128xf32>
    %add3A_79 = arith.addf %div3A_40, %add3A_78 : vector<256x128xf32>
    %log3A_80 = math.log %add3A_79 : vector<256x128xf32>
    %mul3A_81 = arith.mulf %div3A_40, %log3A_80 : vector<256x128xf32>
    %reduce_sum3A_82 = vector.shape_cast %mul3A_81 : vector<256x128xf32> to vector<1x256x128xf32>
    %reduce_sum3A_83 = arith.constant dense<0.000000e+00> : vector<1xf32>
    %reduce_sum3A_84 = vector.multi_reduction <add>, %reduce_sum3A_82, %reduce_sum3A_83 [1, 2] : vector<1x256x128xf32> to vector<1xf32>
    %reduce_sum3A_85 = vector.shape_cast %reduce_sum3A_84 : vector<1xf32> to vector<1x1x1xf32>
    %reduce_sum3A_86 = vector.extract %reduce_sum3A_85[0, 0, 0] : f32 from vector<1x1x1xf32>
    %neg3A = arith.constant 0.000000e+00 : f32
    %neg3A_87 = arith.subf %neg3A, %reduce_sum3A_86 : f32
    %div3A_88 = arith.constant 3.276800e+04 : f32
    %div3A_89 = arith.divf %neg3A_87, %div3A_88 : f32
    %swap3A_90 = arith.constant 0 : index
    %swap3A_91 = arith.constant 0 : index
    %swap3A_92 = memref.load %arg6[%swap3A_90, %swap3A_91] : memref<1x1xf32, #tpu.memory_space<smem>>
    memref.store %div3A_89, %arg6[%swap3A_90, %swap3A_91] : memref<1x1xf32, #tpu.memory_space<smem>>
    return
  }
}

</mosaic_0001>

<sc_bundles>
// kernel: kernel.4.cloned.1.call-start
scs
__scs_entry_jumppad:
0x0: {  	(pc) =	sbr.rel $0x88, $3  }
0x1: {  	(tag) =	ssettag $0x0;
	lr =	simm.s32 $0x1  }
0x2: {  	[smem:$0x3F9E] =	sst lr;
	_ =	strace $0xD0000000  }
0x3: {  	_ = 	snop  }
0x4: {  	_ = 	snop  }
0x5: {  	_ = 	snop  }
0x6: {  	_ = 	snop  }
0x7: {  	_ = 	snop  }
__scs_overlays_trampoline_lowered:
0x8: {  	[smem:$0x3FAD] =	sst s0  }
0x9: {  	[smem:$0x3FAE] =	sst s1  }
0xa: {  	[smem:$0x3FAF] =	sst s2  }
0xb: {  	[smem:$0x3FB0] =	sst s3  }
0xc: {  	[smem:$0x3FB1] =	sst s4  }
0xd: {  	[smem:$0x3FB2] =	sst s5  }
0xe: {  	[smem:$0x3FB3] =	sst s6  }
0xf: {  	[smem:$0x3FB4] =	sst s7  }
0x10: {  	[smem:$0x3FB5] =	sst s8  }
0x11: {  	[smem:$0x3FB6] =	sst s9;
	s0 =	simm.s32 @!p0 $0x0  }
0x12: {  	s1 =	sld [smem:$0x3F9C];
	s0 =	simm.s32 @p0 $0x1  }
0x13: {  	[smem:$0x3FB7] =	sst s0;
	s0 =	simm.s32 @!p1 $0x0  }
0x14: {  	s2 =	sld [smem:$0x3F9B];
	s0 =	simm.s32 @p1 $0x1  }
0x15: {  	[smem:$0x3FB8] =	sst s0;
	s0 =	simm.s32 @!p2 $0x0  }
0x16: {  	s3 =	sld [smem:$0x3FDB];
	s0 =	simm.s32 @p2 $0x1  }
0x17: {  	s4 =	simm.s32 $0x1BF5;
	[smem:$0x3FBA] =	sst s0  }
0x18: {  	s0 =	sld [smem:$0x3F9D];
	_ =	swait.ge [sflag:s4], $0x0  }
0x19: {  	s7 =	sld [smem:$0x3F9E]  }
0x1a: {  	s8 =	sadd.s32 $0xFFFFE003, lr  }
0x1b: {  	s9 =	sadd.s32 $0xFFFFFEF7, lr;
	s5 =	simm.s32 $0xFFFFFFFF;
	p2 =	slt.u32 s8, $0xFFFFF086  }
0x1c: {  	p1 =	slt.u32 s9, $0xF7A;
	s5 =	simm.s32 @!p2 $0x0  }
0x1d: {  	s5 =	simm.s32 @p1 $0x1;
	p0 =	seq.s32 s7, s2  }
0x1e: {  	s7 =	smul.u32 @!p0 $0xF7A, s2;
	p2 =	seq.s32 @!p0 s5, $0x0  }
0x1f: {  	s9 =	smul.u32 $0xF7A, s1;
	s8 =	simm.s32 @!p0 $0x1BF5;
	p2 =	por !p2, p0  }
0x20: {  	[sflag:s8] =	ssyncset.s32 @!p0 $0xFFFFF086;
	s6 =	sadd.s32 @!p0 s3, s7;
	s7 =	simm.s32 @!p0 $0x108  }
0x21: {  	s3 =	sadd.s32 s3, s9;
	s6 =	sadd.s32 @!p0 $0x88, s6;
	s7 =	simm.s32 @p2 $0x1082  }
0x22: {  	[simem:s7], [sflag:s8] =	dma.local @!p0 [hbm:s6], $0xF7A  }
0x23: {  	s9 =	sor.u32 $0xD0000000, s2;
	s6 =	simm.s32 $0x108;
	_ =	swait.ge @!p0 [sflag:s8], $0x0  }
0x24: {  	s3 =	sadd.s32 $0x88, s3;
	s6 =	simm.s32 @!p1 $0x1082;
	[sflag:s4] =	ssyncset.s32 $0xFFFFF086  }
0x25: {  	[simem:s6], [sflag:s4] =	dma.local [hbm:s3], $0xF7A  }
0x26: {  	[smem:$0x3F9E] =	sst s1;
	(tag) =	ssettag s2;
	_ =	strace s9  }
0x27: {  	s1 =	sld [smem:$0x3FAE]  }
0x28: {  	s2 =	sld [smem:$0x3FAF]  }
0x29: {  	s4 =	sld [smem:$0x3FB1]  }
0x2a: {  	p0 =	seq.s32 s5, $0x0;
	s5 =	sld [smem:$0x3FB2]  }
0x2b: {  	s6 =	sld [smem:$0x3FB3]  }
0x2c: {  	s7 =	sld [smem:$0x3FB4]  }
0x2d: {  	s3 =	simm.s32 $0x108;
	s8 =	sld [smem:$0x3FB5]  }
0x2e: {  	s3 =	simm.s32 @!p0 $0x1082;
	s9 =	sld [smem:$0x3FB6]  }
0x2f: {  	lr =	sadd.s32 s0, s3;
	s0 =	sld [smem:$0x3FAD]  }
0x30: {  	s3 =	sld [smem:$0x3FB0]  }
0x31: {  	[smem:$0x3FB9] =	sst s10  }
0x32: {  	s10 =	sld [smem:$0x3FB7];
	_ =	sdelay $0x3  }
0x33: {  	p0 =	seq.s32 s10, $0x1;
	s10 =	sld [smem:$0x3FB9];
	_ =	sdelay $0x3  }
0x34: {  	[smem:$0x3FB9] =	sst s10  }
0x35: {  	s10 =	sld [smem:$0x3FB8];
	_ =	sdelay $0x3  }
0x36: {  	p1 =	seq.s32 s10, $0x1;
	s10 =	sld [smem:$0x3FB9];
	_ =	sdelay $0x3  }
0x37: {  	[smem:$0x3FB9] =	sst s10  }
0x38: {  	s10 =	sld [smem:$0x3FBA]  }
0x39: {  	_ = 	snop;
	(pc) =	sbr.ind lr, $3  }
0x3a: {  	_ = 	snop  }
0x3b: {  	_ = 	snop  }
0x3c: {  	p2 =	seq.s32 s10, $0x1;
	s10 =	sld [smem:$0x3FB9]  }
0x3d: {  	_ =	shalt  }
0x3e: {  	_ =	shalt  }
0x3f: {  	_ =	shalt  }
0x40: {  	_ =	shalt  }
0x41: {  	_ =	shalt  }
0x42: {  	_ =	shalt  }
0x43: {  	_ =	shalt  }
0x44: {  	_ =	shalt  }
0x45: {  	_ =	shalt  }
0x46: {  	_ =	shalt  }
0x47: {  	_ =	shalt  }
0x48: {  	_ =	shalt  }
0x49: {  	_ =	shalt  }
0x4a: {  	_ =	shalt  }
0x4b: {  	_ =	shalt  }
0x4c: {  	_ =	shalt  }
0x4d: {  	_ =	shalt  }
0x4e: {  	_ =	shalt  }
0x4f: {  	_ =	shalt  }
0x50: {  	_ =	shalt  }
0x51: {  	_ =	shalt  }
0x52: {  	_ =	shalt  }
0x53: {  	_ =	shalt  }
0x54: {  	_ =	shalt  }
0x55: {  	_ =	shalt  }
0x56: {  	_ =	shalt  }
0x57: {  	_ =	shalt  }
0x58: {  	_ =	shalt  }
0x59: {  	_ =	shalt  }
0x5a: {  	_ =	shalt  }
0x5b: {  	_ =	shalt  }
0x5c: {  	_ =	shalt  }
0x5d: {  	_ =	shalt  }
0x5e: {  	_ =	shalt  }
0x5f: {  	_ =	shalt  }
0x60: {  	_ =	shalt  }
0x61: {  	_ =	shalt  }
0x62: {  	_ =	shalt  }
0x63: {  	_ =	shalt  }
0x64: {  	_ =	shalt  }
0x65: {  	_ =	shalt  }
0x66: {  	_ =	shalt  }
0x67: {  	_ =	shalt  }
0x68: {  	_ =	shalt  }
0x69: {  	_ =	shalt  }
0x6a: {  	_ =	shalt  }
0x6b: {  	_ =	shalt  }
0x6c: {  	_ =	shalt  }
0x6d: {  	_ =	shalt  }
0x6e: {  	_ =	shalt  }
0x6f: {  	_ =	shalt  }
0x70: {  	_ =	shalt  }
0x71: {  	_ =	shalt  }
0x72: {  	_ =	shalt  }
0x73: {  	_ =	shalt  }
0x74: {  	_ =	shalt  }
0x75: {  	_ =	shalt  }
0x76: {  	_ =	shalt  }
0x77: {  	_ =	shalt  }
0x78: {  	_ =	shalt  }
0x79: {  	_ =	shalt  }
0x7a: {  	_ =	shalt  }
0x7b: {  	_ =	shalt  }
0x7c: {  	_ =	shalt  }
0x7d: {  	_ =	shalt  }
0x7e: {  	_ =	shalt  }
0x7f: {  	_ =	shalt  }
0x80: {  	_ =	shalt  }
0x81: {  	_ =	shalt  }
0x82: {  	_ =	shalt  }
0x83: {  	_ =	shalt  }
0x84: {  	_ =	shalt  }
0x85: {  	_ =	shalt  }
0x86: {  	_ =	shalt  }
0x87: {  	_ =	shalt  }
.Lfunc_end0:
.L_simem_size_0:
called_computation_lowered:
.L_overlay_start_0:
0x88: {  	s2 =	sld [smem:$0x3FD9]  }
0x89: {  	s3 =	sld [smem:$0x3FFE];
	_ =	sdelay $0x1  }
0x8a: {  	s1 =	srdreg.scid  }
0x8b: {  	s0 =	sand.u32 $0x1, s1  }
0x8c: {  	s15 =	sshll.u32 s0, $0xA;
	s2 =	sadd.s32 s3, s2  }
0x8d: {  	s2 =	sadd.s32 s2, s15  }
0x8e: {  	[smem:$0x3FC5] =	sst s2  }
0x8f: {  	_ = 	snop  }
0x90: {  	s2 =	sld [smem:$0x3FD0];
	_ =	sdelay $0x1  }
0x91: {  	s16 =	sld [smem:$0x3FC9]  }
0x92: {  	s5 =	simm.s32 $0xA;
	s6 =	simm.s32 $0x10;
	s4 =	sld [smem:$0x3FC7]  }
0x93: {  	[smem:s6], [sflag:s5] =	dma.local [hbm:s2], $0x1  }
0x94: {  	_ =	swait.eq [sflag:s5], $0x1  }
0x95: {  	[sflag:s5] =	ssyncset.done $0x0  }
0x96: {  	[sflag:s5] =	ssyncadd.s32 $0xFFFFFFFF  }
0x97: {  	s17 =	sld [smem:$0x10];
	(tm) =	ssettm $0x1  }
0x98: {  	s18 =	sld [smem:$0x3FFB];
	_ =	sdelay $0x3  }
0x99: {  	_ =	strace s18  }
0x9a: {  	s5 =	sld [smem:$0x3FFC];
	_ =	sdelay $0x3  }
0x9b: {  	_ =	strace s5  }
0x9c: {  	s5 =	sld [smem:$0x3FFD];
	_ =	sdelay $0x3  }
0x9d: {  	_ =	strace s5  }
0x9e: {  	_ =	strace $0x8FFFFFFF  }
0x9f: {  	s19 =	sld [smem:$0x3FDB];
	_ =	sdelay $0x1  }
0xa0: {  	s20 =	simm.s32 $_scs_section_size  }
0xa1: {  	s7 =	simm.s32 $_size__tile_overlayer_lowered;
	s8 =	simm.s32 $_tile_overlayer_lowered  }
0xa2: {  	s23 =	simm.s32 $0x1BFF;
	s22 =	sshll.u32 s8, $0x1;
	s5 =	sadd.s32 s20, s19  }
0xa3: {  	s9 =	simm.s32 $0x0;
	s21 =	sshll.u32 s7, $0x1;
	s7 =	sadd.s32 s22, s5  }
0xa4: {  	[timem:s9], [sflag:s23] =	dma.local [hbm:s7], s21  }
0xa5: {  	_ =	swait.ge [sflag:s23], s21  }
0xa6: {  	s6 =	ssub.s32 $0x0, s21;
	[sflag:s23] =	ssyncset.done $0x0  }
0xa7: {  	[sflag:s23] =	ssyncadd.s32 s6;
	_ =	sdelay $0x1  }
0xa8: {  	s24 =	simm.s32 $0x1B8B  }
0xa9: {  	_ =	swait.ge [sflag:s24], $0x1  }
0xaa: {  	[sflag:s24] =	ssyncset.done $0x0  }
0xab: {  	s25 =	simm.s32 $0x1B8E;
	[sflag:s24] =	ssyncadd.s32 $0xFFFFFFFF  }
0xac: {  	s26 =	simm.s32 $execute0_lowered;
	[smem:$0x3FD2] =	sst s25  }
0xad: {  	s6 =	sshll.u32 s26, $0x1;
	_ =	strace $0x80000046;
	[dreg:$0x1] =	wrdreg $0xFFFFFFFF  }
0xae: {  	s28 =	simm.s32 $_size_execute0_lowered;
	s5 =	sadd.s32 s5, s6;
	[dreg:$0x0] =	wrdreg $0x0  }
0xaf: {  	s6 =	sshll.u32 s28, $0x1;
	[dreg:$0x2] =	wrdreg s5  }
0xb0: {  	[dreg:$0x3] =	wrdreg s6  }
0xb1: {  	[dreg:$0x4] =	wrdreg $0xC0  }
0xb2: {  	_ =	task [dreg:s9], $0x5FFFF  }
0xb3: {  	[dreg:$0x1] =	wrdreg $0xFFFFFFFF  }
0xb4: {  	[dreg:$0x0] =	wrdreg $0x60  }
0xb5: {  	[dreg:$0x2] =	wrdreg s16  }
0xb6: {  	[dreg:$0x3] =	wrdreg s4  }
0xb7: {  	[dreg:$0x4] =	wrdreg s17  }
0xb8: {  	[dreg:$0x5] =	wrdreg $0x9  }
0xb9: {  	_ =	task.clear_ibuf [dreg:s9], $0x6FFFF;
	_ =	strace $0x90000046  }
0xba: {  	s29 =	simm.s32 $0x9;
	_ =	strace $0x80000048  }
0xbb: {  	_ =	swait.ge [sflag:s29], $0x1  }
0xbc: {  	[sflag:s29] =	ssyncadd.s32 $0xFFFFFFFF  }
0xbd: {  	_ =	strace $0x90000048  }
0xbe: {  	_ =	sfence  }
0xbf: {  	s30 =	sld [smem:$0x0];
	_ =	sdelay $0x2  }
0xc0: {  	s31 =	sshll.u32 s1, $0xD;
	s1 =	sshrl.u32 s1, $0x2  }
0xc1: {  	s3 =	sand.u32 $0x4000, s31;
	s1 =	sadd.s32 s1, s30  }
0xc2: {  	s0 =	sor.u32 s3, s0;
	s1 =	sshll.u32 s1, $0x11  }
0xc3: {  	s0 =	sor.u32 s1, s0  }
0xc4: {  	s0 =	sadd.s32 $0x8F2B, s0  }
0xc5: {  	[sflag:s0] =	ssyncadd.remote.s32 $0x1  }
0xc6: {  	_ =	sfence.sel $0xFFFF  }
0xc7: {  	[dreg:$0x0] =	wrdreg $0xFFFFFFFF;
	(pc) =	sbr.abs _section_cstart, $3  }
0xc8: {  	[dreg:$0x1] =	wrdreg $0xFFFFFFFF  }
0xc9: {  	_ =	task.clear_ibuf [dreg:s9], $0x2FFFF;
	_ =	strace $0x9FFFFFFF  }
0xca: {  	(tm) =	ssettm $0x7FFFFFFF  }
0xcb: {  	_ =	shalt  }
tec
execute0_lowered:
.L_overlay_start_1:
0x0: {  	(tag) =	ssettag $0x1  }
0x1: {  	s4 =	rddreg [dreg:$0x0]  }
0x2: {  	s1 =	rddreg [dreg:$0x1]  }
0x3: {  	s5 =	rddreg [dreg:$0x2]  }
0x4: {  	s0 =	rddreg [dreg:$0x3];
	s3 =	simm.s32 $0x0;
	s6 =	srdreg.scid  }
0x5: {  	s2 =	stileid.u32;
	s10 =	simm.s32 $0x40400;
	s11 =	simm.s32 $0x1  }
0x6: {  	s12 =	simm.s32 $0x8000;
	s13 =	simm.s32 $0x0;
	s6 =	sand.u32 $0x1, s6  }
0x7: {  	[smem:$0x7FF] =	sst s3;
	s8 =	sshll.u32 s2, $0xB;
	s7 =	ssub.s32 $0x2, s6  }
0x8: {  	s6 =	sshll.u32 s6, $0xA;
	_ =	strace $0x80000047;
	s9 =	sshrl.u32 s7, $0x1  }
0x9: {  	v9 =	vimm.s32 $0x9;
	s6 =	sor.u32 s6, s8;
	s8 =	simm.s32 $0x2;
	s7 =	ssub.s32 s7, s9  }
0xa: {  	v10 =	vimm.s32 $0xA;
	v11 =	vimm.s32 $0xB;
	v12 =	vimm.s32 $0xC;
	s4 =	sadd.s32 s4, s6;
	s6 =	sshrl.u32 s6, $0x3;
	s9 =	simm.s32 $0x2000  }
0xb: {  	v13 =	vimm.s32 $0xD;
	v14 =	vimm.s32 $0xE;
	v15 =	vimm.s32 $0xF;
	s5 =	sadd.s32 s5, s6;
	s6 =	smax.u32 s7, $0x1;
	s7 =	simm.s32 $0x8400  }
.LBB2_1:
0xc: {  	[tilespmem:s7], [sflag:$0x2] =	stream.linear.gather [hbm4b:s1+s3], $0x80, $0x38;
	[tilespmem:$0x8480] =	vst v63  }
0xd: {  	_ =	swait.ge [sflag:s8], $0x80  }
0xe: {  	[sflag:s8] =	ssyncset.done $0x0  }
0xf: {  	[sflag:s8] =	ssyncadd.s32 $0xFFFFFF80  }
0x10: {  	[tilespmem:s3], [sflag:$0x1] =	stream.strided.gather [hbm4b:s4+s9], $0x8000, s10, s9, $0x38;
	[tilespmem:$0x8480] =	vst v63  }
0x11: {  	v16 =	vld [tilespmem:$0x8400];
	_ =	sdelay $0x2  }
0x12: {  	v0 =	vimm.s32 $0x0;
	v1 =	vimm.s32 $0x1;
	v39 =	vld [tilespmem:$0x8410];
	_ =	swait.ge [sflag:s11], $0x8000  }
0x13: {  	s14 =	sand.u32 $0x70, s3;
	s15 =	sand.u32 $0x1C00, s3;
	v2 =	vimm.s32 $0x2;
	v3 =	vimm.s32 $0x3;
	v4 =	vimm.s32 $0x4;
	[sflag:s11] =	ssyncset.done $0x0  }
0x14: {  	v5 =	vimm.s32 $0x5;
	s14 =	sor.u32 s14, s15;
	[sflag:s11] =	ssyncadd.s32 $0xFFFF8000;
	v27 =	vperm.xlane v16, v0;
	v28 =	vperm.xlane v16, v1  }
0x15: {  	v6 =	vimm.s32 $0x6;
	v50 =	vld [tilespmem:s14+$0x6000];
	v29 =	vperm.xlane v16, v2;
	v30 =	vperm.xlane v16, v3  }
0x16: {  	v7 =	vimm.s32 $0x7;
	v51 =	vld [tilespmem:s14+$0x6080];
	v32 =	vperm.xlane v16, v4;
	v33 =	vperm.xlane v16, v5  }
0x17: {  	v8 =	vimm.s32 $0x8;
	v38 =	vld [tilespmem:s14+$0x2000];
	v31 =	vperm.xlane v16, v6;
	v25 =	vperm.xlane v16, v7  }
0x18: {  	v46 =	vld [tilespmem:s14+$0x200];
	v34 =	vperm.xlane v16, v8;
	v35 =	vperm.xlane v16, v9  }
0x19: {  	v47 =	vld [tilespmem:s14+$0x280];
	v26 =	vperm.xlane v16, v10;
	v23 =	vperm.xlane v16, v11  }
0x1a: {  	v54 =	vld [tilespmem:s14+$0x0];
	v36 =	vperm.xlane v16, v12;
	v37 =	vperm.xlane v16, v13  }
0x1b: {  	v55 =	vld [tilespmem:s14+$0x80];
	v24 =	vperm.xlane v16, v14;
	v21 =	vperm.xlane v16, v15  }
0x1c: {  	v56 =	vld [tilespmem:s14+$0x100];
	v40 =	vperm.xlane v39, v0;
	v41 =	vperm.xlane v39, v1  }
0x1d: {  	v57 =	vld [tilespmem:s14+$0x180];
	v22 =	vperm.xlane v39, v2;
	v18 =	vperm.xlane v39, v3  }
0x1e: {  	v58 =	vld [tilespmem:s14+$0x300];
	v42 =	vperm.xlane v39, v4;
	v43 =	vperm.xlane v39, v5  }
0x1f: {  	v59 =	vld [tilespmem:s14+$0x380];
	v20 =	vperm.xlane v39, v6;
	v16 =	vperm.xlane v39, v7  }
0x20: {  	v60 =	vld [tilespmem:s14+$0x2080];
	v44 =	vperm.xlane v39, v8;
	v45 =	vperm.xlane v39, v9  }
0x21: {  	v61 =	vld [tilespmem:s14+$0x2100];
	v19 =	vperm.xlane v39, v10;
	v17 =	vperm.xlane v39, v11  }
0x22: {  	v62 =	vld [tilespmem:s14+$0x2180];
	v46 =	vmul.f32 v46, v32;
	v54 =	vmul.f32 v54, v27  }
0x23: {  	v63 =	vld [tilespmem:s14+$0x2200];
	v55 =	vmul.f32 v55, v28;
	v56 =	vmul.f32 v56, v29  }
0x24: {  	v52 =	vld [tilespmem:s14+$0x4200];
	v47 =	vmul.f32 v47, v33;
	v57 =	vmul.f32 v57, v30  }
0x25: {  	v53 =	vld [tilespmem:s14+$0x4280];
	v58 =	vmul.f32 v58, v31;
	v59 =	vmul.f32 v59, v25  }
0x26: {  	v6 =	vld [tilespmem:s14+$0x2280];
	v38 =	vmul.f32 v38, v34;
	v60 =	vmul.f32 v60, v35  }
0x27: {  	v1 =	vld [tilespmem:s14+$0x2300];
	v61 =	vmul.f32 v61, v26;
	v62 =	vmul.f32 v62, v23  }
0x28: {  	v48 =	vld [tilespmem:s14+$0x6200];
	v63 =	vmul.f32 v63, v36;
	v50 =	vmul.f32 v50, v44  }
0x29: {  	v49 =	vld [tilespmem:s14+$0x6280];
	v51 =	vmul.f32 v51, v45;
	v52 =	vmul.f32 v52, v42;
	v55 =	vadd.f32 $0.0e+00, v55  }
0x2a: {  	v7 =	vld [tilespmem:s14+$0x4000];
	v53 =	vmul.f32 v53, v43;
	v54 =	vadd.f32 $0.0e+00, v54;
	v56 =	vadd.f32 $0.0e+00, v56  }
0x2b: {  	v4 =	vld [tilespmem:s14+$0x4080];
	v57 =	vadd.f32 $0.0e+00, v57;
	v0 =	vmul.f32 v6, v37;
	v55 =	vadd.f32 v47, v55  }
0x2c: {  	v1 =	vmul.f32 v1, v24;
	v54 =	vadd.f32 v46, v54;
	v56 =	vadd.f32 v58, v56;
	v58 =	vld [tilespmem:s14+$0x2380]  }
0x2d: {  	v5 =	vld [tilespmem:s14+$0x4100];
	v46 =	vperm.xlane v39, v12;
	v57 =	vadd.f32 v59, v57;
	v55 =	vadd.f32 v60, v55  }
0x2e: {  	v6 =	vld [tilespmem:s14+$0x4180];
	v47 =	vperm.xlane v39, v13;
	v54 =	vadd.f32 v38, v54;
	v56 =	vadd.f32 v61, v56  }
0x2f: {  	v59 =	vmul.f32 v7, v40;
	v57 =	vadd.f32 v62, v57;
	v0 =	vadd.f32 v0, v55;
	v55 =	vld [tilespmem:s14+$0x4300]  }
0x30: {  	v38 =	vperm.xlane v39, v14;
	v39 =	vperm.xlane v39, v15;
	v1 =	vadd.f32 v1, v56;
	v56 =	vld [tilespmem:s14+$0x4380]  }
0x31: {  	v7 =	vld [tilespmem:s14+$0x6100];
	v48 =	vmul.f32 v48, v46;
	v54 =	vadd.f32 v63, v54;
	v58 =	vmul.f32 v58, v21  }
0x32: {  	v60 =	vmul.f32 v4, v41;
	v61 =	vmul.f32 v5, v22;
	v4 =	vld [tilespmem:s14+$0x6180]  }
0x33: {  	v5 =	vld [tilespmem:s14+$0x6300];
	v62 =	vmul.f32 v6, v18;
	v54 =	vadd.f32 v59, v54;
	v57 =	vadd.f32 v58, v57  }
0x34: {  	v49 =	vmul.f32 v49, v47;
	v6 =	vld [tilespmem:s14+$0x6380];
	v0 =	vadd.f32 v60, v0;
	v1 =	vadd.f32 v61, v1  }
0x35: {  	v57 =	vadd.f32 v62, v57;
	v55 =	vmul.f32 v55, v20;
	v56 =	vmul.f32 v56, v16  }
0x36: {  	v7 =	vmul.f32 v7, v19;
	v52 =	vadd.f32 v52, v54;
	v0 =	vadd.f32 v53, v0  }
0x37: {  	v59 =	vmul.f32 v4, v17;
	v1 =	vadd.f32 v55, v1;
	v58 =	vadd.f32 v56, v57  }
0x38: {  	v60 =	vmul.f32 v5, v38;
	v50 =	vadd.f32 v50, v52;
	v0 =	vadd.f32 v51, v0  }
0x39: {  	v63 =	vmul.f32 v6, v39;
	v1 =	vadd.f32 v7, v1;
	v62 =	vadd.f32 v59, v58  }
0x3a: {  	v48 =	vadd.f32 v48, v50;
	v0 =	vadd.f32 v49, v0  }
0x3b: {  	v1 =	vadd.f32 v60, v1;
	v4 =	vadd.f32 v63, v62;
	_ =	sdelay $0x1  }
0x3c: {  	v0 =	vadd.f32 v0, v48;
	v1 =	vadd.f32 v4, v1;
	_ =	sdelay $0x1  }
0x3d: {  	s30 =	simm.s32 $0x10;
	s16 =	simm.s32 $0x80;
	v0 =	vadd.f32 v1, v0  }
0x3e: {  	s31 =	sand.u32 $0x1C00, s16;
	s14 =	sand.u32 $0x70, s30  }
0x3f: {  	s15 =	sor.u32 s14, s31;
	[tilespmem:s12+$0x0] =	vst v0  }
0x40: {  	v0 =	vld [tilespmem:s15+$0x6200]  }
0x41: {  	v5 =	vld [tilespmem:s15+$0x6280]  }
0x42: {  	v6 =	vld [tilespmem:s15+$0x6000]  }
0x43: {  	v7 =	vld [tilespmem:s15+$0x6080]  }
0x44: {  	v60 =	vld [tilespmem:s15+$0x4200]  }
0x45: {  	v62 =	vld [tilespmem:s15+$0x4280]  }
0x46: {  	v57 =	vld [tilespmem:s15+$0x4000]  }
0x47: {  	v61 =	vld [tilespmem:s15+$0x4080]  }
0x48: {  	v54 =	vld [tilespmem:s15+$0x2200]  }
0x49: {  	v58 =	vld [tilespmem:s15+$0x2280]  }
0x4a: {  	v52 =	vld [tilespmem:s15+$0x2000]  }
0x4b: {  	v55 =	vld [tilespmem:s15+$0x2080]  }
0x4c: {  	v56 =	vld [tilespmem:s15+$0x200]  }
0x4d: {  	v59 =	vld [tilespmem:s15+$0x280]  }
0x4e: {  	v53 =	vld [tilespmem:s15+$0x0];
	v48 =	vmul.f32 v0, v46;
	v49 =	vmul.f32 v5, v47  }
0x4f: {  	s17 =	simm.s32 $0x20;
	s14 =	simm.s32 $0x8000;
	v63 =	vld [tilespmem:s15+$0x80];
	v50 =	vmul.f32 v6, v44;
	v51 =	vmul.f32 v7, v45  }
.LBB2_2:
0x50: {  	p0 =	sne.s32 s17, $0x3F0;
	v0 =	vld [tilespmem:s15+$0x100];
	v1 =	vmul.f32 v60, v42;
	v60 =	vmul.f32 v62, v43  }
0x51: {  	v57 =	vmul.f32 v57, v40;
	v61 =	vmul.f32 v61, v41;
	v62 =	vld [tilespmem:s15+$0x180]  }
0x52: {  	v54 =	vmul.f32 v54, v36;
	v58 =	vmul.f32 v58, v37;
	v2 =	vld [tilespmem:s15+$0x300]  }
0x53: {  	v52 =	vmul.f32 v52, v34;
	v55 =	vmul.f32 v55, v35;
	v3 =	vld [tilespmem:s15+$0x380]  }
0x54: {  	v56 =	vmul.f32 v56, v32;
	v59 =	vmul.f32 v59, v33;
	v4 =	vld [tilespmem:s15+$0x2100]  }
0x55: {  	v53 =	vmul.f32 v53, v27;
	v63 =	vmul.f32 v63, v28;
	v5 =	vld [tilespmem:s15+$0x2180]  }
0x56: {  	v0 =	vmul.f32 v0, v29;
	v62 =	vmul.f32 v62, v30;
	v6 =	vld [tilespmem:s15+$0x2300]  }
0x57: {  	v53 =	vadd.f32 $0.0e+00, v53;
	v63 =	vadd.f32 $0.0e+00, v63;
	v2 =	vmul.f32 v2, v31;
	v7 =	vld [tilespmem:s15+$0x2380]  }
0x58: {  	v0 =	vadd.f32 $0.0e+00, v0;
	v62 =	vadd.f32 $0.0e+00, v62;
	v3 =	vmul.f32 v3, v25;
	v8 =	vld [tilespmem:s15+$0x4100]  }
0x59: {  	v53 =	vadd.f32 v56, v53;
	v56 =	vadd.f32 v59, v63;
	v4 =	vmul.f32 v4, v26;
	v59 =	vld [tilespmem:s15+$0x4180]  }
0x5a: {  	v0 =	vadd.f32 v2, v0;
	v2 =	vadd.f32 v3, v62;
	v3 =	vmul.f32 v5, v23;
	v5 =	vld [tilespmem:s15+$0x4300]  }
0x5b: {  	v52 =	vadd.f32 v52, v53;
	v53 =	vadd.f32 v55, v56;
	v6 =	vmul.f32 v6, v24;
	v55 =	vld [tilespmem:s15+$0x4380]  }
0x5c: {  	v0 =	vadd.f32 v4, v0;
	v2 =	vadd.f32 v3, v2;
	v3 =	vmul.f32 v7, v21;
	v4 =	vld [tilespmem:s15+$0x6100]  }
0x5d: {  	v7 =	vadd.f32 v54, v52;
	v52 =	vadd.f32 v58, v53;
	v8 =	vmul.f32 v8, v22;
	v53 =	vld [tilespmem:s15+$0x6180]  }
0x5e: {  	v0 =	vadd.f32 v6, v0;
	v2 =	vadd.f32 v3, v2;
	v3 =	vmul.f32 v59, v18;
	v6 =	vld [tilespmem:s15+$0x6300]  }
0x5f: {  	v7 =	vadd.f32 v57, v7;
	v52 =	vadd.f32 v61, v52;
	v5 =	vmul.f32 v5, v20;
	v54 =	vld [tilespmem:s15+$0x6380]  }
0x60: {  	v0 =	vadd.f32 v8, v0;
	v2 =	vadd.f32 v3, v2;
	v3 =	vmul.f32 v55, v16  }
0x61: {  	v1 =	vadd.f32 v1, v7;
	v7 =	vadd.f32 v60, v52;
	v4 =	vmul.f32 v4, v19  }
0x62: {  	v0 =	vadd.f32 v5, v0;
	v2 =	vadd.f32 v3, v2;
	v3 =	vmul.f32 v53, v17  }
0x63: {  	v1 =	vadd.f32 v50, v1;
	v5 =	vadd.f32 v51, v7;
	v6 =	vmul.f32 v6, v38  }
0x64: {  	v0 =	vadd.f32 v4, v0;
	v2 =	vadd.f32 v3, v2;
	v3 =	vmul.f32 v54, v39  }
0x65: {  	v1 =	vadd.f32 v48, v1;
	v4 =	vadd.f32 v49, v5  }
0x66: {  	v0 =	vadd.f32 v6, v0;
	v2 =	vadd.f32 v3, v2;
	_ =	sdelay $0x1  }
0x67: {  	v1 =	vadd.f32 v4, v1;
	v0 =	vadd.f32 v2, v0;
	_ =	sdelay $0x1  }
0x68: {  	s16 =	sadd.s32 $0x80, s16;
	v0 =	vadd.f32 v0, v1  }
0x69: {  	s14 =	sadd.s32 $0x10, s14;
	s18 =	sand.u32 $0x1C00, s16;
	s15 =	sand.u32 $0x70, s17  }
0x6a: {  	s15 =	sor.u32 s15, s18;
	[tilespmem:s14+$0x0] =	vst v0  }
0x6b: {  	v0 =	vld [tilespmem:s15+$0x6200]  }
0x6c: {  	v1 =	vld [tilespmem:s15+$0x6280]  }
0x6d: {  	v2 =	vld [tilespmem:s15+$0x6000]  }
0x6e: {  	v3 =	vld [tilespmem:s15+$0x6080]  }
0x6f: {  	v60 =	vld [tilespmem:s15+$0x4200]  }
0x70: {  	v62 =	vld [tilespmem:s15+$0x4280]  }
0x71: {  	v57 =	vld [tilespmem:s15+$0x4000]  }
0x72: {  	v61 =	vld [tilespmem:s15+$0x4080]  }
0x73: {  	v54 =	vld [tilespmem:s15+$0x2200]  }
0x74: {  	v58 =	vld [tilespmem:s15+$0x2280]  }
0x75: {  	v52 =	vld [tilespmem:s15+$0x2000]  }
.Ltmp0:
0x76: {  	v55 =	vld [tilespmem:s15+$0x2080];
	(pc) =	sbr.rel @p0 .LBB2_2-.Ltmp0, $4  }
0x77: {  	v56 =	vld [tilespmem:s15+$0x200]  }
0x78: {  	v59 =	vld [tilespmem:s15+$0x280]  }
0x79: {  	v48 =	vmul.f32 v0, v46;
	v49 =	vmul.f32 v1, v47;
	v53 =	vld [tilespmem:s15+$0x0]  }
0x7a: {  	s17 =	sadd.s32 $0x10, s17;
	v50 =	vmul.f32 v2, v44;
	v51 =	vmul.f32 v3, v45;
	v63 =	vld [tilespmem:s15+$0x80]  }
0x7b: {  	v0 =	vld [tilespmem:s15+$0x100];
	v1 =	vmul.f32 v60, v42;
	v2 =	vmul.f32 v62, v43  }
0x7c: {  	v3 =	vld [tilespmem:s15+$0x180];
	v4 =	vmul.f32 v57, v40;
	v5 =	vmul.f32 v61, v41  }
0x7d: {  	v6 =	vld [tilespmem:s15+$0x300];
	v7 =	vmul.f32 v54, v36;
	v8 =	vmul.f32 v58, v37  }
0x7e: {  	v60 =	vld [tilespmem:s15+$0x380];
	v34 =	vmul.f32 v52, v34;
	v35 =	vmul.f32 v55, v35  }
0x7f: {  	v61 =	vld [tilespmem:s15+$0x2100];
	v32 =	vmul.f32 v56, v32;
	v33 =	vmul.f32 v59, v33  }
0x80: {  	v62 =	vld [tilespmem:s15+$0x2180];
	v27 =	vmul.f32 v53, v27;
	v28 =	vmul.f32 v63, v28  }
0x81: {  	v41 =	vld [tilespmem:s15+$0x2380];
	v0 =	vmul.f32 v0, v29;
	v3 =	vmul.f32 v3, v30  }
0x82: {  	v63 =	vld [tilespmem:s15+$0x2300];
	v27 =	vadd.f32 $0.0e+00, v27;
	v6 =	vmul.f32 v6, v31;
	v28 =	vadd.f32 $0.0e+00, v28  }
0x83: {  	v42 =	vld [tilespmem:s15+$0x4100];
	v25 =	vmul.f32 v60, v25;
	v0 =	vadd.f32 $0.0e+00, v0;
	v3 =	vadd.f32 $0.0e+00, v3  }
0x84: {  	v43 =	vld [tilespmem:s15+$0x4180];
	v26 =	vmul.f32 v61, v26;
	v27 =	vadd.f32 v32, v27;
	v28 =	vadd.f32 v33, v28  }
0x85: {  	v45 =	vld [tilespmem:s15+$0x4300];
	v44 =	vmul.f32 v62, v23;
	v0 =	vadd.f32 v6, v0;
	v3 =	vadd.f32 v25, v3  }
0x86: {  	v52 =	vld [tilespmem:s15+$0x4380];
	v53 =	vmul.f32 v41, v21;
	v46 =	vadd.f32 v34, v27;
	v47 =	vadd.f32 v35, v28  }
0x87: {  	v54 =	vld [tilespmem:s15+$0x6100];
	v24 =	vmul.f32 v63, v24;
	v0 =	vadd.f32 v26, v0;
	v3 =	vadd.f32 v44, v3  }
0x88: {  	v55 =	vld [tilespmem:s15+$0x6180];
	v22 =	vmul.f32 v42, v22;
	v7 =	vadd.f32 v7, v46;
	v8 =	vadd.f32 v8, v47  }
0x89: {  	v57 =	vld [tilespmem:s15+$0x6300];
	v56 =	vmul.f32 v43, v18;
	v0 =	vadd.f32 v24, v0;
	v3 =	vadd.f32 v53, v3  }
0x8a: {  	v58 =	vmul.f32 v45, v20;
	v4 =	vadd.f32 v4, v7;
	v5 =	vadd.f32 v5, v8;
	v8 =	vld [tilespmem:s15+$0x6380]  }
0x8b: {  	v59 =	vmul.f32 v52, v16;
	v0 =	vadd.f32 v22, v0;
	v3 =	vadd.f32 v56, v3  }
0x8c: {  	v60 =	vmul.f32 v54, v19;
	v1 =	vadd.f32 v1, v4;
	v2 =	vadd.f32 v2, v5  }
0x8d: {  	v61 =	vmul.f32 v55, v17;
	v0 =	vadd.f32 v58, v0;
	v3 =	vadd.f32 v59, v3  }
0x8e: {  	v62 =	vmul.f32 v57, v38;
	v1 =	vadd.f32 v50, v1;
	v2 =	vadd.f32 v51, v2  }
0x8f: {  	v0 =	vadd.f32 v60, v0;
	v3 =	vadd.f32 v61, v3;
	v63 =	vmul.f32 v8, v39  }
0x90: {  	v1 =	vadd.f32 v48, v1;
	v2 =	vadd.f32 v49, v2  }
0x91: {  	v0 =	vadd.f32 v62, v0;
	v3 =	vadd.f32 v63, v3;
	_ =	sdelay $0x1  }
0x92: {  	v1 =	vadd.f32 v2, v1;
	v0 =	vadd.f32 v3, v0;
	_ =	sdelay $0x1  }
0x93: {  	s13 =	sadd.s32 $0x1, s13;
	v0 =	vadd.f32 v0, v1  }
0x94: {  	s14 =	sadd.s32 $0x10, s14;
	p0 =	sne.s32 s13, s6  }
.Ltmp1:
0x95: {  	[tilespmem:s14+$0x0] =	vst v0;
	(pc) =	sbr.rel @p0 .LBB2_1-.Ltmp1, $4  }
0x96: {  	[hbm4b:s5+s3] =	stream.linear.scatter [tilespmem:s12], [sflag:$0x2], $0x400, $0x38;
	[tilespmem:$0x8480] =	vst v63  }
0x97: {  	_ =	swait.ge [sflag:s8], $0x400  }
0x98: {  	[sflag:s8] =	ssyncset.done $0x0  }
0x99: {  	[sflag:s8] =	ssyncadd.s32 $0xFFFFFC00  }
0x9a: {  	_ =	sfence.sel $0x180000  }
0x9b: {  	[bflag:$0x0] =	sbarrier.arrive $0xFFFF  }
0x9c: {  	p0 =	sne.s32 s2, $0x0;
	_ =	strace $0x90000047  }
0x9d: {  	s0 =	sadd.s32 @!p0 $0x100000, s0;
	[bflag:$0x2] =	sbarrier.arrive $0xFFFF  }
0x9e: {  	[sflag:s0] =	ssyncadd.tile.s32 @!p0 $0x1;
	_ =	shalt  }
.Lfunc_end2:
_tile_overlayer_lowered:
.L_overlay_start_2:
0x9f: {  	(tag) =	ssettag $0x2  }
0xa0: {  	s0 =	rddreg [dreg:$0x0];
	s2 =	stileid.u32  }
0xa1: {  	s1 =	rddreg [dreg:$0x1];
	p0 =	sne.s32 s2, $0x0  }
0xa2: {  	s3 =	rddreg [dreg:$0x2];
	[bflag:$0x3] =	sbarrier.arrive $0xFFFF;
	s2 =	simm.s32 @!p0 $0x1C02  }
0xa3: {  	[timem:s3], [sflag:s2] =	dma.local @!p0 [hbm:s0], s1  }
0xa4: {  	s0 =	simm.s32 @!p0 $0x2  }
0xa5: {  	_ =	swait.ge @!p0 [sflag:s0], s1  }
0xa6: {  	s1 =	ssub.s32 @!p0 $0x0, s1;
	[sflag:s0] =	ssyncset.done @!p0 $0x0  }
0xa7: {  	[sflag:s0] =	ssyncadd.s32 @!p0 s1  }
0xa8: {  	[bflag:$0x3] =	sbarrier.arrive $0xFFFF  }
0xa9: {  	_ =	shalt  }

</sc_bundles>
